<compile_context>
chip_gen: v7x
topology: tpu7x:2x2x1
jax: 0.10.2.dev20260603
libtpu: 0.0.44.dev20260713+nightly
codegen_flags: <defaults>
</compile_context>

<pallas_src>
import functools

import jax
import jax.numpy as jnp
from jax import lax
from jax.experimental import pallas as pl
from jax.experimental.pallas import tpu as pltpu
from jax.experimental.pallas import tpu_sc as plsc

N = 1000000
B = 16
NUM_CLASSES = 20
NUM_ROWS = 240
NUM_COLS = 240
D_MIN = 1.25
D_MAX = 0.75
H_M = 24.0
W_M = 24.0
RES = 0.1
OUT_WORDS = B * NUM_CLASSES * NUM_ROWS * NUM_COLS

NP_PAD = 1 << 20
LANES = 128
ROWS2D = NP_PAD // LANES
BLK_ROWS = 256
GRID = ROWS2D // BLK_ROWS

NC = 2
NS = 16
NSLICE = 10
W = OUT_WORDS // NSLICE
W16 = W // NS
PASSES = NSLICE // NC
T = NP_PAD // NS
C = 2048
NCHUNK = T // C
NBLKMAX = C // 128


def _tc_body(x_ref, y_ref, z_ref, bi_ref, si_ref, pose_ref, hd_ref,
             idx_ref, val_ref, tab_ref):
    i = pl.program_id(0)

    cb = jnp.cos(-hd_ref[0:1, :])
    sb = jnp.sin(-hd_ref[0:1, :])
    gxb = pose_ref[0:1, :]
    gyb = pose_ref[1:2, :]
    gzb = pose_ref[2:3, :]
    tab_ref[0:1, :] = cb
    tab_ref[1:2, :] = sb
    tab_ref[2:3, :] = gxb
    tab_ref[3:4, :] = gyb
    tab_ref[4:5, :] = gzb

    x = x_ref[...]
    y = y_ref[...]
    z = z_ref[...]
    bi = bi_ref[...]
    si = si_ref[...]

    c = jnp.zeros_like(x)
    s = jnp.zeros_like(x)
    gx = jnp.zeros_like(x)
    gy = jnp.zeros_like(x)
    gz = jnp.zeros_like(x)
    for b in range(B):
        m = bi == b
        c = jnp.where(m, tab_ref[0, b], c)
        s = jnp.where(m, tab_ref[1, b], s)
        gx = jnp.where(m, tab_ref[2, b], gx)
        gy = jnp.where(m, tab_ref[3, b], gy)
        gz = jnp.where(m, tab_ref[4, b], gz)

    p0 = x - gx
    p2 = z - gz
    px = c * p0 + s * p2
    pz = -s * p0 + c * p2
    rows = jnp.round((pz + H_M / 2.0) / RES).astype(jnp.int32)
    cols = jnp.round((px + W_M / 2.0) / RES).astype(jnp.int32)

    pid = (i * (BLK_ROWS * LANES)
           + lax.broadcasted_iota(jnp.int32, (BLK_ROWS, LANES), 0) * LANES
           + lax.broadcasted_iota(jnp.int32, (BLK_ROWS, LANES), 1))

    hmask = jnp.logical_and(y > gy - D_MIN, y < gy + D_MAX)
    valid = (hmask & (pid < N)
             & (rows >= 0) & (rows < NUM_ROWS)
             & (cols >= 0) & (cols < NUM_COLS))
    rows_c = jnp.clip(rows, 0, NUM_ROWS - 1)
    cols_c = jnp.clip(cols, 0, NUM_COLS - 1)

    idx_ref[...] = ((bi * NUM_CLASSES + si) * NUM_ROWS + rows_c) * NUM_COLS + cols_c
    val_ref[...] = jnp.where(valid, y - gy, 0.0).astype(jnp.float32)


def _compute_idx_val(xyz, bi, si, robot_pose, robot_heading):
    pad = NP_PAD - N
    xt = jnp.transpose(xyz)
    x = jnp.pad(xt[0], (0, pad)).reshape(ROWS2D, LANES)
    y = jnp.pad(xt[1], (0, pad)).reshape(ROWS2D, LANES)
    z = jnp.pad(xt[2], (0, pad)).reshape(ROWS2D, LANES)
    bi2 = jnp.pad(bi, (0, pad)).reshape(ROWS2D, LANES)
    si2 = jnp.pad(si, (0, pad)).reshape(ROWS2D, LANES)
    pose_t = robot_pose.T
    hd = robot_heading.reshape(1, B)

    blk = pl.BlockSpec((BLK_ROWS, LANES), lambda i: (i, 0))
    small3 = pl.BlockSpec((3, B), lambda i: (0, 0))
    small1 = pl.BlockSpec((1, B), lambda i: (0, 0))
    idx2d, val2d = pl.pallas_call(
        _tc_body,
        grid=(GRID,),
        in_specs=[blk, blk, blk, blk, blk, small3, small1],
        out_specs=[blk, blk],
        out_shape=[
            jax.ShapeDtypeStruct((ROWS2D, LANES), jnp.int32),
            jax.ShapeDtypeStruct((ROWS2D, LANES), jnp.float32),
        ],
        scratch_shapes=[pltpu.VMEM((8, B), jnp.float32)],
    )(x, y, z, bi2, si2, pose_t, hd)
    return idx2d.reshape(-1), val2d.reshape(-1)


def _sc_body(idx_hbm, val_hbm, zeros_hbm, out_hbm, acc,
             st_idx0, st_val0, st_idx1, st_val1,
             bufidx, bufval, sem0, sem1, semf, *, SL0, NPASS):
    cid = lax.axis_index("c")
    sid = lax.axis_index("s")
    iota = lax.iota(jnp.int32, 16)
    zeros16 = jnp.zeros((16,), jnp.float32)

    def fire(ch, st_idx, st_val, sem):
        start = sid * T + ch * C
        pltpu.async_copy(idx_hbm.at[pl.ds(start, C)], st_idx, sem)
        pltpu.async_copy(val_hbm.at[pl.ds(start, C)], st_val, sem)

    def wait(st_idx, st_val, sem):
        pltpu.make_async_copy(idx_hbm.at[pl.ds(0, C)], st_idx, sem).wait()
        pltpu.make_async_copy(val_hbm.at[pl.ds(0, C)], st_val, sem).wait()

    def process(base, st_idx, st_val):

        ones16 = jnp.ones((16,), jnp.int32)

        @plsc.parallel_loop(0, C // 16, carry=jnp.full((16,), -1, jnp.int32),
                            unroll=8)
        def off(i, off):
            iv = st_idx[pl.ds(i * 16, 16)]
            rel = iv - base
            m = plsc.bitcast(rel, jnp.uint32) < jnp.uint32(W)
            csum = plsc.cumsum(ones16, mask=m)
            pos = off + csum
            r = lax.shift_right_logical(pos, 7)
            cc = lax.bitwise_and(pos, 127)
            plsc.store_scatter(bufidx, [r, cc], rel, mask=m)
            vv = st_val[pl.ds(i * 16, 16)]
            plsc.store_scatter(bufval, [r, cc], vv, mask=m)
            return off + plsc.all_reduce_population_count(m)

        cnt = jnp.max(off) + 1
        nblk = (cnt + 127) // 128

        for j in range(8):
            posp = cnt + j * 16 + iota
            mp = posp < nblk * 128
            rp = lax.shift_right_logical(posp, 7)
            cp = lax.bitwise_and(posp, 127)
            plsc.store_scatter(bufidx, [rp, cp], cp, mask=mp)
            plsc.store_scatter(bufval, [rp, cp], zeros16, mask=mp)

        def flush(j, _):
            pltpu.async_copy(bufval.at[j], acc.at[bufidx.at[j]], semf,
                             add=True)
            return 0
        lax.fori_loop(0, nblk, flush, 0)

        def drain(j, _):
            pltpu.make_async_copy(bufval.at[j], acc.at[bufidx.at[j]],
                                  semf).wait()
            return 0
        lax.fori_loop(0, nblk, drain, 0)

    def pass_body(p, _):
        sl = SL0 + p * NC + cid
        base = sl * W
        obase = (sl - SL0) * W

        pltpu.sync_copy(zeros_hbm.at[pl.ds(sid * W16, W16)],
                        acc.at[pl.ds(sid * W16, W16)])
        plsc.subcore_barrier()

        fire(0, st_idx0, st_val0, sem0)
        fire(1, st_idx1, st_val1, sem1)

        def chunk_pair(q, _):
            wait(st_idx0, st_val0, sem0)
            process(base, st_idx0, st_val0)

            @pl.when(q < NCHUNK // 2 - 1)
            def _():
                fire(2 * q + 2, st_idx0, st_val0, sem0)

            wait(st_idx1, st_val1, sem1)
            process(base, st_idx1, st_val1)

            @pl.when(q < NCHUNK // 2 - 1)
            def _():
                fire(2 * q + 3, st_idx1, st_val1, sem1)
            return 0

        lax.fori_loop(0, NCHUNK // 2, chunk_pair, 0)
        plsc.subcore_barrier()
        pltpu.sync_copy(acc.at[pl.ds(sid * W16, W16)],
                        out_hbm.at[pl.ds(obase + sid * W16, W16)])
        plsc.subcore_barrier()
        return 0

    lax.fori_loop(0, NPASS, pass_body, 0)


SPLIT_A = 6
SPLIT_B = NSLICE - SPLIT_A


def _make_sc(sl0, nslices):
    mesh = plsc.VectorSubcoreMesh(core_axis_name="c", subcore_axis_name="s",
                                  num_cores=NC, num_subcores=NS)
    return pl.kernel(
        functools.partial(_sc_body, SL0=sl0, NPASS=nslices // NC),
        out_type=jax.ShapeDtypeStruct((nslices * W,), jnp.float32),
        mesh=mesh,
        compiler_params=pltpu.CompilerParams(needs_layout_passes=False),
        scratch_types=[
            pltpu.VMEM_SHARED((W,), jnp.float32),
            pltpu.VMEM((C,), jnp.int32),
            pltpu.VMEM((C,), jnp.float32),
            pltpu.VMEM((C,), jnp.int32),
            pltpu.VMEM((C,), jnp.float32),
            pltpu.VMEM((NBLKMAX, 128), jnp.int32),
            pltpu.VMEM((NBLKMAX, 128), jnp.float32),
            pltpu.SemaphoreType.DMA,
            pltpu.SemaphoreType.DMA,
            pltpu.SemaphoreType.DMA,
        ],
    )


def kernel(xyz, batch_indices, semantics, robot_pose, robot_heading):
    bi = batch_indices.astype(jnp.int32)
    si = semantics.astype(jnp.int32)
    idx, val = _compute_idx_val(xyz, bi, si, robot_pose, robot_heading)
    zeros = jnp.zeros((W,), jnp.float32)
    flat = _make_sc(0, NSLICE)(idx, val, zeros)
    return flat.reshape(B, NUM_CLASSES, NUM_ROWS, NUM_COLS)

# --- scband reference (transcript-rebuilt; emitter-appended) ---
"""Pipeline reference for scband-mapping-module-17738214932564 (READ-ONLY COPY).

The authoritative reference and input builder live on the scoring server;
editing this copy changes nothing except your own understanding.
"""

import jax, jax.numpy as jnp
import numpy as np

N = 1000000
B = 16
NUM_CLASSES = 20
H_M = 24.0
W_M = 24.0
RES = 0.1
NUM_ROWS = int(np.ceil(H_M / RES))
NUM_COLS = int(np.ceil(W_M / RES))
D_MIN = 1.25
D_MAX = 0.75


def setup_inputs(seed: int = 0) -> dict:
    key = jax.random.key(seed)
    k1, k2, k3, k4, k5 = jax.random.split(key, 5)
    xyz = jax.random.normal(k1, (N, 3), dtype=jnp.float32)
    batch_indices = jax.random.randint(k2, (N,), 0, B).astype(jnp.int64)
    semantics = jax.random.randint(k3, (N,), 0, NUM_CLASSES).astype(jnp.int64)
    robot_pose = jax.random.normal(k4, (B, 3), dtype=jnp.float32)
    robot_heading = jax.random.normal(k5, (B,), dtype=jnp.float32)
    return {
        'xyz': xyz,
        'batch_indices': batch_indices,
        'semantics': semantics,
        'robot_pose': robot_pose,
        'robot_heading': robot_heading,
    }


def reference(xyz, batch_indices, semantics, robot_pose, robot_heading):
    # 1) FilterPointCloudByRobotHeight: keep points within band around robot height
    robot_height = robot_pose[:, 1][batch_indices]
    hmask = jnp.logical_and(xyz[:, 1] > robot_height - D_MIN,
                            xyz[:, 1] < robot_height + D_MAX)

    # 2) shift_origin: translate(-pose) then rotate_around_y(-heading)
    p = xyz - robot_pose[batch_indices]
    ang = -robot_heading[batch_indices]
    c = jnp.cos(ang)
    s = jnp.sin(ang)
    # rotate_around_y_matrix applied per point (bmm): [c,0,s;0,1,0;-s,0,c] @ p
    px = c * p[:, 0] + s * p[:, 2]
    py = p[:, 1]
    pz = -s * p[:, 0] + c * p[:, 2]

    # 3) MapDimensions.meters_to_cell_index with map centered on robot
    rows = jnp.round((pz + H_M / 2.0) / RES).astype(jnp.int32)
    cols = jnp.round((px + W_M / 2.0) / RES).astype(jnp.int32)

    # 4) valid_map_bounds
    valid = (hmask
             & (rows >= 0) & (rows < NUM_ROWS)
             & (cols >= 0) & (cols < NUM_COLS))
    rows_c = jnp.clip(rows, 0, NUM_ROWS - 1)
    cols_c = jnp.clip(cols, 0, NUM_COLS - 1)

    # 5) scatter-add into per-class semantic map memory (height-weighted occupancy)
    vals = jnp.where(valid, py, 0.0).astype(jnp.float32)
    semantic_map = jnp.zeros((B, NUM_CLASSES, NUM_ROWS, NUM_COLS), dtype=jnp.float32)
    semantic_map = semantic_map.at[batch_indices, semantics, rows_c, cols_c].add(vals)
    return semantic_map

if __name__ == "__main__":
    import jax
    _d = setup_inputs()
    print(jax.jit(kernel)(*tuple(_d.values())))

</pallas_src>

<mosaic_0001>
#map = affine_map<(d0, d1) -> (0)>
module attributes {stable_mosaic.version = 14 : i64} {
  func.func @_sc_body(%arg0: i32, %arg1: i32, %arg2: memref<1048576xi32, #tpu.memory_space<hbm>>, %arg3: memref<1048576xf32, #tpu.memory_space<hbm>>, %arg4: memref<1843200xf32, #tpu.memory_space<hbm>>, %arg5: memref<18432000xf32, #tpu.memory_space<hbm>>, %arg6: memref<1843200xf32, #tpu.memory_space<vmem_shared>>, %arg7: memref<2048xi32, #tpu.memory_space<vmem>>, %arg8: memref<2048xf32, #tpu.memory_space<vmem>>, %arg9: memref<2048xi32, #tpu.memory_space<vmem>>, %arg10: memref<2048xf32, #tpu.memory_space<vmem>>, %arg11: memref<16x128xi32, #tpu.memory_space<vmem>>, %arg12: memref<16x128xf32, #tpu.memory_space<vmem>>, %arg13: memref<!tpu.dma_semaphore, #tpu.memory_space<semaphore_mem>>, %arg14: memref<!tpu.dma_semaphore, #tpu.memory_space<semaphore_mem>>, %arg15: memref<!tpu.dma_semaphore, #tpu.memory_space<semaphore_mem>>) attributes {dimension_semantics = [#tpu.dimension_semantics<core_parallel>, #tpu.dimension_semantics<subcore_parallel>], iteration_bounds = array<i64: 2, 16>, scalar_prefetch = 0 : i64, scratch_operands = 10 : i64, tpu.core_type = #tpu.core_type<sc_vector_subcore>, window_params = [{transform_indices = #map}, {transform_indices = #map}, {transform_indices = #map}, {transform_indices = #map}]} {
    %iota3A = tpu.iota {dimensions = array<i32: 0>} : vector<16xi32>
    %broadcast_in_dim3A = arith.constant 0.000000e+00 : f32
    %broadcast_in_dim3A_0 = vector.broadcast %broadcast_in_dim3A : f32 to vector<16xf32>
    %scan3A = arith.constant 0 : i32
    %scan3A_1 = arith.constant 0 : i32
    %scan3A_2 = arith.constant 5 : i32
    %scan3A_3 = arith.addi %scan3A_1, %scan3A_2 : i32
    %scan3A_4 = arith.constant 1 : i32
    %scan3A_5 = scf.for %scan3A_7 = %scan3A_1 to %scan3A_3 step %scan3A_4 iter_args(%scan3A_8 = %scan3A) -> (i32)  : i32 {
      %mul3A = arith.constant 2 : i32
      %mul3A_9 = arith.muli %scan3A_7, %mul3A : i32
      %add3A = arith.constant 0 : i32
      %add3A_10 = arith.addi %add3A, %mul3A_9 : i32
      %add3A_11 = arith.addi %add3A_10, %arg0 : i32
      %mul3A_12 = arith.constant 1843200 : i32
      %mul3A_13 = arith.muli %add3A_11, %mul3A_12 : i32
      %sub3A = arith.constant 0 : i32
      %sub3A_14 = arith.subi %add3A_11, %sub3A : i32
      %mul3A_15 = arith.constant 1843200 : i32
      %mul3A_16 = arith.muli %sub3A_14, %mul3A_15 : i32
      %mul3A_17 = arith.constant 115200 : i32
      %mul3A_18 = arith.muli %arg1, %mul3A_17 : i32
      %mul3A_19 = arith.constant 115200 : i32
      %mul3A_20 = arith.muli %arg1, %mul3A_19 : i32
      "tpu.region"() ({
        %run_scoped3A = tpu.sem_alloc : memref<!tpu.dma_semaphore, #tpu.memory_space<semaphore_mem>>
        %dma_start3A_51 = tpu.memref_slice %arg6[%mul3A_20] : memref<1843200xf32, #tpu.memory_space<vmem_shared>> -> memref<115200xf32, #tpu.memory_space<vmem_shared>>
        %dma_start3A_52 = tpu.memref_slice %arg4[%mul3A_18] : memref<1843200xf32, #tpu.memory_space<hbm>> -> memref<115200xf32, #tpu.memory_space<hbm>>
        tpu.enqueue_dma source(%dma_start3A_52 : memref<115200xf32, #tpu.memory_space<hbm>>) target(%dma_start3A_51 : memref<115200xf32, #tpu.memory_space<vmem_shared>>) target_semaphore(%run_scoped3A : memref<!tpu.dma_semaphore, #tpu.memory_space<semaphore_mem>>)
        %dma_wait3A = tpu.memref_slice %arg6[%mul3A_20] : memref<1843200xf32, #tpu.memory_space<vmem_shared>> -> memref<115200xf32, #tpu.memory_space<vmem_shared>>
        %dma_wait3A_53 = tpu.memref_slice %arg4[%mul3A_18] : memref<1843200xf32, #tpu.memory_space<hbm>> -> memref<115200xf32, #tpu.memory_space<hbm>>
        tpu.wait_dma2 semaphore(%run_scoped3A : memref<!tpu.dma_semaphore, #tpu.memory_space<semaphore_mem>>) src(%dma_wait3A_53 : memref<115200xf32, #tpu.memory_space<hbm>>) dst(%dma_wait3A : memref<115200xf32, #tpu.memory_space<vmem_shared>>)
        tpu.yield
      }) : () -> ()
      %barrier3A = arith.constant 0 : index
      tpu.barrier barrier_id(%barrier3A)
      %mul3A_21 = arith.constant 65536 : i32
      %mul3A_22 = arith.muli %arg1, %mul3A_21 : i32
      %add3A_23 = arith.constant 0 : i32
      %add3A_24 = arith.addi %mul3A_22, %add3A_23 : i32
      %dma_start3A = tpu.memref_slice %arg2[%add3A_24] : memref<1048576xi32, #tpu.memory_space<hbm>> -> memref<2048xi32, #tpu.memory_space<hbm>>
      %dma_start3A_25 = tpu.memref_slice %arg2[%add3A_24] : memref<1048576xi32, #tpu.memory_space<hbm>> -> memref<2048xi32, #tpu.memory_space<hbm>>
      tpu.enqueue_dma source(%dma_start3A_25 : memref<2048xi32, #tpu.memory_space<hbm>>) target(%arg7 : memref<2048xi32, #tpu.memory_space<vmem>>) target_semaphore(%arg13 : memref<!tpu.dma_semaphore, #tpu.memory_space<semaphore_mem>>)
      %dma_start3A_26 = tpu.memref_slice %arg3[%add3A_24] : memref<1048576xf32, #tpu.memory_space<hbm>> -> memref<2048xf32, #tpu.memory_space<hbm>>
      %dma_start3A_27 = tpu.memref_slice %arg3[%add3A_24] : memref<1048576xf32, #tpu.memory_space<hbm>> -> memref<2048xf32, #tpu.memory_space<hbm>>
      tpu.enqueue_dma source(%dma_start3A_27 : memref<2048xf32, #tpu.memory_space<hbm>>) target(%arg8 : memref<2048xf32, #tpu.memory_space<vmem>>) target_semaphore(%arg13 : memref<!tpu.dma_semaphore, #tpu.memory_space<semaphore_mem>>)
      %mul3A_28 = arith.constant 65536 : i32
      %mul3A_29 = arith.muli %arg1, %mul3A_28 : i32
      %add3A_30 = arith.constant 2048 : i32
      %add3A_31 = arith.addi %mul3A_29, %add3A_30 : i32
      %dma_start3A_32 = tpu.memref_slice %arg2[%add3A_31] : memref<1048576xi32, #tpu.memory_space<hbm>> -> memref<2048xi32, #tpu.memory_space<hbm>>
      %dma_start3A_33 = tpu.memref_slice %arg2[%add3A_31] : memref<1048576xi32, #tpu.memory_space<hbm>> -> memref<2048xi32, #tpu.memory_space<hbm>>
      tpu.enqueue_dma source(%dma_start3A_33 : memref<2048xi32, #tpu.memory_space<hbm>>) target(%arg9 : memref<2048xi32, #tpu.memory_space<vmem>>) target_semaphore(%arg14 : memref<!tpu.dma_semaphore, #tpu.memory_space<semaphore_mem>>)
      %dma_start3A_34 = tpu.memref_slice %arg3[%add3A_31] : memref<1048576xf32, #tpu.memory_space<hbm>> -> memref<2048xf32, #tpu.memory_space<hbm>>
      %dma_start3A_35 = tpu.memref_slice %arg3[%add3A_31] : memref<1048576xf32, #tpu.memory_space<hbm>> -> memref<2048xf32, #tpu.memory_space<hbm>>
      tpu.enqueue_dma source(%dma_start3A_35 : memref<2048xf32, #tpu.memory_space<hbm>>) target(%arg10 : memref<2048xf32, #tpu.memory_space<vmem>>) target_semaphore(%arg14 : memref<!tpu.dma_semaphore, #tpu.memory_space<semaphore_mem>>)
      %scan3A_36 = arith.constant 0 : i32
      %scan3A_37 = arith.constant 0 : i32
      %scan3A_38 = arith.constant 16 : i32
      %scan3A_39 = arith.addi %scan3A_37, %scan3A_38 : i32
      %scan3A_40 = arith.constant 1 : i32
      %scan3A_41 = scf.for %scan3A_51 = %scan3A_37 to %scan3A_39 step %scan3A_40 iter_args(%scan3A_52 = %scan3A_36) -> (i32)  : i32 {
        %dma_wait3A = arith.constant 0 : i32
        %dma_wait3A_53 = tpu.memref_slice %arg2[%dma_wait3A] : memref<1048576xi32, #tpu.memory_space<hbm>> -> memref<2048xi32, #tpu.memory_space<hbm>>
        %dma_wait3A_54 = arith.constant 0 : i32
        %dma_wait3A_55 = tpu.memref_slice %arg2[%dma_wait3A_54] : memref<1048576xi32, #tpu.memory_space<hbm>> -> memref<2048xi32, #tpu.memory_space<hbm>>
        tpu.wait_dma2 semaphore(%arg13 : memref<!tpu.dma_semaphore, #tpu.memory_space<semaphore_mem>>) src(%dma_wait3A_55 : memref<2048xi32, #tpu.memory_space<hbm>>) dst(%arg7 : memref<2048xi32, #tpu.memory_space<vmem>>)
        %dma_wait3A_56 = arith.constant 0 : i32
        %dma_wait3A_57 = tpu.memref_slice %arg3[%dma_wait3A_56] : memref<1048576xf32, #tpu.memory_space<hbm>> -> memref<2048xf32, #tpu.memory_space<hbm>>
        %dma_wait3A_58 = arith.constant 0 : i32
        %dma_wait3A_59 = tpu.memref_slice %arg3[%dma_wait3A_58] : memref<1048576xf32, #tpu.memory_space<hbm>> -> memref<2048xf32, #tpu.memory_space<hbm>>
        tpu.wait_dma2 semaphore(%arg13 : memref<!tpu.dma_semaphore, #tpu.memory_space<semaphore_mem>>) src(%dma_wait3A_59 : memref<2048xf32, #tpu.memory_space<hbm>>) dst(%arg8 : memref<2048xf32, #tpu.memory_space<vmem>>)
        %broadcast_in_dim3A_60 = arith.constant 1 : i32
        %broadcast_in_dim3A_61 = vector.broadcast %broadcast_in_dim3A_60 : i32 to vector<16xi32>
        %broadcast_in_dim3A_62 = arith.constant -1 : i32
        %broadcast_in_dim3A_63 = vector.broadcast %broadcast_in_dim3A_62 : i32 to vector<16xi32>
        %parallel_loop3A = arith.constant 0 : i32
        %parallel_loop3A_64 = arith.constant 128 : i32
        %parallel_loop3A_65 = arith.constant 1 : i32
        %parallel_loop3A_66 = scf.for %parallel_loop3A_425 = %parallel_loop3A to %parallel_loop3A_64 step %parallel_loop3A_65 iter_args(%parallel_loop3A_426 = %broadcast_in_dim3A_63) -> (vector<16xi32>)  : i32 {
          %parallel_loop3A_427 = arith.constant 16 : i32
          %parallel_loop3A_428 = arith.muli %parallel_loop3A_425, %parallel_loop3A_427 : i32
          %parallel_loop3A_429 = arith.index_cast %parallel_loop3A_428 : i32 to index
          %parallel_loop3A_430 = tpu.vector_load %arg7[%parallel_loop3A_429] {strides = array<i32>} : memref<2048xi32, #tpu.memory_space<vmem>>, vector<16xi32>,
          %parallel_loop3A_431 = vector.broadcast %mul3A_13 : i32 to vector<16xi32>
          %parallel_loop3A_432 = arith.subi %parallel_loop3A_430, %parallel_loop3A_431 : vector<16xi32>
          %parallel_loop3A_433 = vector.bitcast %parallel_loop3A_432 : vector<16xi32> to vector<16xi32>
          %parallel_loop3A_434 = arith.constant 1843200 : i32
          %parallel_loop3A_435 = vector.broadcast %parallel_loop3A_434 : i32 to vector<16xi32>
          %parallel_loop3A_436 = arith.cmpi ult, %parallel_loop3A_433, %parallel_loop3A_435 : vector<16xi32>
          %parallel_loop3A_437 = tpu.scan <sum>, %broadcast_in_dim3A_61 masked %parallel_loop3A_436 : vector<16xi32>, vector<16xi1> -> vector<16xi32>
          %parallel_loop3A_438 = arith.addi %parallel_loop3A_426, %parallel_loop3A_437 : vector<16xi32>
          %parallel_loop3A_439 = arith.constant 7 : i32
          %parallel_loop3A_440 = vector.broadcast %parallel_loop3A_439 : i32 to vector<16xi32>
          %parallel_loop3A_441 = arith.shrui %parallel_loop3A_438, %parallel_loop3A_440 : vector<16xi32>
          %parallel_loop3A_442 = arith.constant 127 : i32
          %parallel_loop3A_443 = vector.broadcast %parallel_loop3A_442 : i32 to vector<16xi32>
          %parallel_loop3A_444 = arith.andi %parallel_loop3A_438, %parallel_loop3A_443 : vector<16xi32>
          tpu.vector_store_idx %arg11[%parallel_loop3A_441, %parallel_loop3A_444], %parallel_loop3A_432 masked %parallel_loop3A_436 : memref<16x128xi32, #tpu.memory_space<vmem>>[vector<16xi32>, vector<16xi32>], vector<16xi32>, vector<16xi1>
          %parallel_loop3A_445 = arith.constant 16 : i32
          %parallel_loop3A_446 = arith.muli %parallel_loop3A_425, %parallel_loop3A_445 : i32
          %parallel_loop3A_447 = arith.index_cast %parallel_loop3A_446 : i32 to index
          %parallel_loop3A_448 = tpu.vector_load %arg8[%parallel_loop3A_447] {strides = array<i32>} : memref<2048xf32, #tpu.memory_space<vmem>>, vector<16xf32>,
          tpu.vector_store_idx %arg12[%parallel_loop3A_441, %parallel_loop3A_444], %parallel_loop3A_448 masked %parallel_loop3A_436 : memref<16x128xf32, #tpu.memory_space<vmem>>[vector<16xi32>, vector<16xi32>], vector<16xf32>, vector<16xi1>
          %parallel_loop3A_449 = tpu.all_reduce %parallel_loop3A_436 {dim = 0 : i64, kind = #tpu.reduction_kind<sum>} : vector<16xi1> -> vector<16xi32>
          %parallel_loop3A_450 = arith.addi %parallel_loop3A_426, %parallel_loop3A_449 : vector<16xi32>
          scf.yield %parallel_loop3A_450 : vector<16xi32>
        } {sc.loop_unroll_factor = 8 : i64, sc.parallel_access}
        %reduce_max3A = arith.constant true
        %reduce_max3A_67 = vector.broadcast %reduce_max3A : i1 to vector<16xi1>
        %reduce_max3A_68 = arith.constant -2147483648 : i32
        %reduce_max3A_69 = vector.broadcast %reduce_max3A_68 : i32 to vector<16xi32>
        %reduce_max3A_70 = arith.xori %parallel_loop3A_66, %reduce_max3A_69 : vector<16xi32>
        %reduce_max3A_71 = tpu.scan <max>, %reduce_max3A_70 masked %reduce_max3A_67 : vector<16xi32>, vector<16xi1> -> vector<16xi32>
        %reduce_max3A_72 = arith.xori %reduce_max3A_71, %reduce_max3A_69 : vector<16xi32>
        %reduce_max3A_73 = vector.extract %reduce_max3A_72[15] : i32 from vector<16xi32>
        %add3A_74 = arith.constant 1 : i32
        %add3A_75 = arith.addi %reduce_max3A_73, %add3A_74 : i32
        %add3A_76 = arith.constant 127 : i32
        %add3A_77 = arith.addi %add3A_75, %add3A_76 : i32
        %jit3A = arith.constant 128 : i32
        %div3A = arith.divsi %add3A_77, %jit3A : i32
        %sign3A = arith.constant 0 : i32
        %sign3A_78 = arith.cmpi sgt, %add3A_77, %sign3A : i32
        %sign3A_79 = arith.extui %sign3A_78 : i1 to i32
        %sign3A_80 = arith.constant 0 : i32
        %sign3A_81 = arith.cmpi slt, %add3A_77, %sign3A_80 : i32
        %sign3A_82 = arith.extui %sign3A_81 : i1 to i32
        %sign3A_83 = arith.subi %sign3A_79, %sign3A_82 : i32
        %sign3A_84 = arith.constant 0 : i32
        %sign3A_85 = arith.cmpi sgt, %jit3A, %sign3A_84 : i32
        %sign3A_86 = arith.extui %sign3A_85 : i1 to i32
        %sign3A_87 = arith.constant 0 : i32
        %sign3A_88 = arith.cmpi slt, %jit3A, %sign3A_87 : i32
        %sign3A_89 = arith.extui %sign3A_88 : i1 to i32
        %sign3A_90 = arith.subi %sign3A_86, %sign3A_89 : i32
        %ne3A = arith.cmpi ne, %sign3A_83, %sign3A_90 : i32
        %rem3A = arith.remsi %add3A_77, %jit3A : i32
        %ne3A_91 = arith.constant 0 : i32
        %ne3A_92 = arith.cmpi ne, %rem3A, %ne3A_91 : i32
        %and3A = arith.andi %ne3A, %ne3A_92 : i1
        %sub3A_93 = arith.constant 1 : i32
        %sub3A_94 = arith.subi %div3A, %sub3A_93 : i32
        %select_n3A = arith.select %and3A, %sub3A_94, %div3A : i32
        %add3A_95 = arith.constant 0 : i32
        %add3A_96 = arith.addi %add3A_75, %add3A_95 : i32
        %add3A_97 = vector.broadcast %add3A_96 : i32 to vector<16xi32>
        %add3A_98 = arith.addi %add3A_97, %iota3A : vector<16xi32>
        %mul3A_99 = arith.constant 128 : i32
        %mul3A_100 = arith.muli %select_n3A, %mul3A_99 : i32
        %lt3A = vector.broadcast %mul3A_100 : i32 to vector<16xi32>
        %lt3A_101 = arith.cmpi slt, %add3A_98, %lt3A : vector<16xi32>
        %shift_right_logical3A = arith.constant 7 : i32
        %shift_right_logical3A_102 = vector.broadcast %shift_right_logical3A : i32 to vector<16xi32>
        %shift_right_logical3A_103 = arith.shrui %add3A_98, %shift_right_logical3A_102 : vector<16xi32>
        %and3A_104 = arith.constant 127 : i32
        %and3A_105 = vector.broadcast %and3A_104 : i32 to vector<16xi32>
        %and3A_106 = arith.andi %add3A_98, %and3A_105 : vector<16xi32>
        tpu.vector_store_idx %arg11[%shift_right_logical3A_103, %and3A_106], %and3A_106 masked %lt3A_101 : memref<16x128xi32, #tpu.memory_space<vmem>>[vector<16xi32>, vector<16xi32>], vector<16xi32>, vector<16xi1>
        tpu.vector_store_idx %arg12[%shift_right_logical3A_103, %and3A_106], %broadcast_in_dim3A_0 masked %lt3A_101 : memref<16x128xf32, #tpu.memory_space<vmem>>[vector<16xi32>, vector<16xi32>], vector<16xf32>, vector<16xi1>
        %add3A_107 = arith.constant 16 : i32
        %add3A_108 = arith.addi %add3A_75, %add3A_107 : i32
        %add3A_109 = vector.broadcast %add3A_108 : i32 to vector<16xi32>
        %add3A_110 = arith.addi %add3A_109, %iota3A : vector<16xi32>
        %mul3A_111 = arith.constant 128 : i32
        %mul3A_112 = arith.muli %select_n3A, %mul3A_111 : i32
        %lt3A_113 = vector.broadcast %mul3A_112 : i32 to vector<16xi32>
        %lt3A_114 = arith.cmpi slt, %add3A_110, %lt3A_113 : vector<16xi32>
        %shift_right_logical3A_115 = arith.constant 7 : i32
        %shift_right_logical3A_116 = vector.broadcast %shift_right_logical3A_115 : i32 to vector<16xi32>
        %shift_right_logical3A_117 = arith.shrui %add3A_110, %shift_right_logical3A_116 : vector<16xi32>
        %and3A_118 = arith.constant 127 : i32
        %and3A_119 = vector.broadcast %and3A_118 : i32 to vector<16xi32>
        %and3A_120 = arith.andi %add3A_110, %and3A_119 : vector<16xi32>
        tpu.vector_store_idx %arg11[%shift_right_logical3A_117, %and3A_120], %and3A_120 masked %lt3A_114 : memref<16x128xi32, #tpu.memory_space<vmem>>[vector<16xi32>, vector<16xi32>], vector<16xi32>, vector<16xi1>
        tpu.vector_store_idx %arg12[%shift_right_logical3A_117, %and3A_120], %broadcast_in_dim3A_0 masked %lt3A_114 : memref<16x128xf32, #tpu.memory_space<vmem>>[vector<16xi32>, vector<16xi32>], vector<16xf32>, vector<16xi1>
        %add3A_121 = arith.constant 32 : i32
        %add3A_122 = arith.addi %add3A_75, %add3A_121 : i32
        %add3A_123 = vector.broadcast %add3A_122 : i32 to vector<16xi32>
        %add3A_124 = arith.addi %add3A_123, %iota3A : vector<16xi32>
        %mul3A_125 = arith.constant 128 : i32
        %mul3A_126 = arith.muli %select_n3A, %mul3A_125 : i32
        %lt3A_127 = vector.broadcast %mul3A_126 : i32 to vector<16xi32>
        %lt3A_128 = arith.cmpi slt, %add3A_124, %lt3A_127 : vector<16xi32>
        %shift_right_logical3A_129 = arith.constant 7 : i32
        %shift_right_logical3A_130 = vector.broadcast %shift_right_logical3A_129 : i32 to vector<16xi32>
        %shift_right_logical3A_131 = arith.shrui %add3A_124, %shift_right_logical3A_130 : vector<16xi32>
        %and3A_132 = arith.constant 127 : i32
        %and3A_133 = vector.broadcast %and3A_132 : i32 to vector<16xi32>
        %and3A_134 = arith.andi %add3A_124, %and3A_133 : vector<16xi32>
        tpu.vector_store_idx %arg11[%shift_right_logical3A_131, %and3A_134], %and3A_134 masked %lt3A_128 : memref<16x128xi32, #tpu.memory_space<vmem>>[vector<16xi32>, vector<16xi32>], vector<16xi32>, vector<16xi1>
        tpu.vector_store_idx %arg12[%shift_right_logical3A_131, %and3A_134], %broadcast_in_dim3A_0 masked %lt3A_128 : memref<16x128xf32, #tpu.memory_space<vmem>>[vector<16xi32>, vector<16xi32>], vector<16xf32>, vector<16xi1>
        %add3A_135 = arith.constant 48 : i32
        %add3A_136 = arith.addi %add3A_75, %add3A_135 : i32
        %add3A_137 = vector.broadcast %add3A_136 : i32 to vector<16xi32>
        %add3A_138 = arith.addi %add3A_137, %iota3A : vector<16xi32>
        %mul3A_139 = arith.constant 128 : i32
        %mul3A_140 = arith.muli %select_n3A, %mul3A_139 : i32
        %lt3A_141 = vector.broadcast %mul3A_140 : i32 to vector<16xi32>
        %lt3A_142 = arith.cmpi slt, %add3A_138, %lt3A_141 : vector<16xi32>
        %shift_right_logical3A_143 = arith.constant 7 : i32
        %shift_right_logical3A_144 = vector.broadcast %shift_right_logical3A_143 : i32 to vector<16xi32>
        %shift_right_logical3A_145 = arith.shrui %add3A_138, %shift_right_logical3A_144 : vector<16xi32>
        %and3A_146 = arith.constant 127 : i32
        %and3A_147 = vector.broadcast %and3A_146 : i32 to vector<16xi32>
        %and3A_148 = arith.andi %add3A_138, %and3A_147 : vector<16xi32>
        tpu.vector_store_idx %arg11[%shift_right_logical3A_145, %and3A_148], %and3A_148 masked %lt3A_142 : memref<16x128xi32, #tpu.memory_space<vmem>>[vector<16xi32>, vector<16xi32>], vector<16xi32>, vector<16xi1>
        tpu.vector_store_idx %arg12[%shift_right_logical3A_145, %and3A_148], %broadcast_in_dim3A_0 masked %lt3A_142 : memref<16x128xf32, #tpu.memory_space<vmem>>[vector<16xi32>, vector<16xi32>], vector<16xf32>, vector<16xi1>
        %add3A_149 = arith.constant 64 : i32
        %add3A_150 = arith.addi %add3A_75, %add3A_149 : i32
        %add3A_151 = vector.broadcast %add3A_150 : i32 to vector<16xi32>
        %add3A_152 = arith.addi %add3A_151, %iota3A : vector<16xi32>
        %mul3A_153 = arith.constant 128 : i32
        %mul3A_154 = arith.muli %select_n3A, %mul3A_153 : i32
        %lt3A_155 = vector.broadcast %mul3A_154 : i32 to vector<16xi32>
        %lt3A_156 = arith.cmpi slt, %add3A_152, %lt3A_155 : vector<16xi32>
        %shift_right_logical3A_157 = arith.constant 7 : i32
        %shift_right_logical3A_158 = vector.broadcast %shift_right_logical3A_157 : i32 to vector<16xi32>
        %shift_right_logical3A_159 = arith.shrui %add3A_152, %shift_right_logical3A_158 : vector<16xi32>
        %and3A_160 = arith.constant 127 : i32
        %and3A_161 = vector.broadcast %and3A_160 : i32 to vector<16xi32>
        %and3A_162 = arith.andi %add3A_152, %and3A_161 : vector<16xi32>
        tpu.vector_store_idx %arg11[%shift_right_logical3A_159, %and3A_162], %and3A_162 masked %lt3A_156 : memref<16x128xi32, #tpu.memory_space<vmem>>[vector<16xi32>, vector<16xi32>], vector<16xi32>, vector<16xi1>
        tpu.vector_store_idx %arg12[%shift_right_logical3A_159, %and3A_162], %broadcast_in_dim3A_0 masked %lt3A_156 : memref<16x128xf32, #tpu.memory_space<vmem>>[vector<16xi32>, vector<16xi32>], vector<16xf32>, vector<16xi1>
        %add3A_163 = arith.constant 80 : i32
        %add3A_164 = arith.addi %add3A_75, %add3A_163 : i32
        %add3A_165 = vector.broadcast %add3A_164 : i32 to vector<16xi32>
        %add3A_166 = arith.addi %add3A_165, %iota3A : vector<16xi32>
        %mul3A_167 = arith.constant 128 : i32
        %mul3A_168 = arith.muli %select_n3A, %mul3A_167 : i32
        %lt3A_169 = vector.broadcast %mul3A_168 : i32 to vector<16xi32>
        %lt3A_170 = arith.cmpi slt, %add3A_166, %lt3A_169 : vector<16xi32>
        %shift_right_logical3A_171 = arith.constant 7 : i32
        %shift_right_logical3A_172 = vector.broadcast %shift_right_logical3A_171 : i32 to vector<16xi32>
        %shift_right_logical3A_173 = arith.shrui %add3A_166, %shift_right_logical3A_172 : vector<16xi32>
        %and3A_174 = arith.constant 127 : i32
        %and3A_175 = vector.broadcast %and3A_174 : i32 to vector<16xi32>
        %and3A_176 = arith.andi %add3A_166, %and3A_175 : vector<16xi32>
        tpu.vector_store_idx %arg11[%shift_right_logical3A_173, %and3A_176], %and3A_176 masked %lt3A_170 : memref<16x128xi32, #tpu.memory_space<vmem>>[vector<16xi32>, vector<16xi32>], vector<16xi32>, vector<16xi1>
        tpu.vector_store_idx %arg12[%shift_right_logical3A_173, %and3A_176], %broadcast_in_dim3A_0 masked %lt3A_170 : memref<16x128xf32, #tpu.memory_space<vmem>>[vector<16xi32>, vector<16xi32>], vector<16xf32>, vector<16xi1>
        %add3A_177 = arith.constant 96 : i32
        %add3A_178 = arith.addi %add3A_75, %add3A_177 : i32
        %add3A_179 = vector.broadcast %add3A_178 : i32 to vector<16xi32>
        %add3A_180 = arith.addi %add3A_179, %iota3A : vector<16xi32>
        %mul3A_181 = arith.constant 128 : i32
        %mul3A_182 = arith.muli %select_n3A, %mul3A_181 : i32
        %lt3A_183 = vector.broadcast %mul3A_182 : i32 to vector<16xi32>
        %lt3A_184 = arith.cmpi slt, %add3A_180, %lt3A_183 : vector<16xi32>
        %shift_right_logical3A_185 = arith.constant 7 : i32
        %shift_right_logical3A_186 = vector.broadcast %shift_right_logical3A_185 : i32 to vector<16xi32>
        %shift_right_logical3A_187 = arith.shrui %add3A_180, %shift_right_logical3A_186 : vector<16xi32>
        %and3A_188 = arith.constant 127 : i32
        %and3A_189 = vector.broadcast %and3A_188 : i32 to vector<16xi32>
        %and3A_190 = arith.andi %add3A_180, %and3A_189 : vector<16xi32>
        tpu.vector_store_idx %arg11[%shift_right_logical3A_187, %and3A_190], %and3A_190 masked %lt3A_184 : memref<16x128xi32, #tpu.memory_space<vmem>>[vector<16xi32>, vector<16xi32>], vector<16xi32>, vector<16xi1>
        tpu.vector_store_idx %arg12[%shift_right_logical3A_187, %and3A_190], %broadcast_in_dim3A_0 masked %lt3A_184 : memref<16x128xf32, #tpu.memory_space<vmem>>[vector<16xi32>, vector<16xi32>], vector<16xf32>, vector<16xi1>
        %add3A_191 = arith.constant 112 : i32
        %add3A_192 = arith.addi %add3A_75, %add3A_191 : i32
        %add3A_193 = vector.broadcast %add3A_192 : i32 to vector<16xi32>
        %add3A_194 = arith.addi %add3A_193, %iota3A : vector<16xi32>
        %mul3A_195 = arith.constant 128 : i32
        %mul3A_196 = arith.muli %select_n3A, %mul3A_195 : i32
        %lt3A_197 = vector.broadcast %mul3A_196 : i32 to vector<16xi32>
        %lt3A_198 = arith.cmpi slt, %add3A_194, %lt3A_197 : vector<16xi32>
        %shift_right_logical3A_199 = arith.constant 7 : i32
        %shift_right_logical3A_200 = vector.broadcast %shift_right_logical3A_199 : i32 to vector<16xi32>
        %shift_right_logical3A_201 = arith.shrui %add3A_194, %shift_right_logical3A_200 : vector<16xi32>
        %and3A_202 = arith.constant 127 : i32
        %and3A_203 = vector.broadcast %and3A_202 : i32 to vector<16xi32>
        %and3A_204 = arith.andi %add3A_194, %and3A_203 : vector<16xi32>
        tpu.vector_store_idx %arg11[%shift_right_logical3A_201, %and3A_204], %and3A_204 masked %lt3A_198 : memref<16x128xi32, #tpu.memory_space<vmem>>[vector<16xi32>, vector<16xi32>], vector<16xi32>, vector<16xi1>
        tpu.vector_store_idx %arg12[%shift_right_logical3A_201, %and3A_204], %broadcast_in_dim3A_0 masked %lt3A_198 : memref<16x128xf32, #tpu.memory_space<vmem>>[vector<16xi32>, vector<16xi32>], vector<16xf32>, vector<16xi1>
        %while3A = arith.constant 0 : i32
        %while3A_205 = arith.constant 0 : i32
        %while3A_206 = arith.subi %select_n3A, %while3A : i32
        %while3A_207 = arith.addi %while3A, %while3A_206 : i32
        %while3A_208 = arith.constant 1 : i32
        %while3A_209 = arith.divsi %while3A_206, %while3A_208 : i32
        %while3A_210 = arith.muli %while3A_209, %while3A_208 : i32
        %while3A_211 = arith.addi %while3A, %while3A_210 : i32
        %while3A_212 = arith.constant 1 : i32
        %while3A_213 = scf.for %while3A_425 = %while3A to %while3A_211 step %while3A_212 iter_args(%while3A_426 = %while3A_205) -> (i32)  : i32 {
          %dma_start3A_427 = arith.constant 0 : i32
          %dma_start3A_428 = tpu.memref_slice %arg12[%while3A_425, %dma_start3A_427] : memref<16x128xf32, #tpu.memory_space<vmem>> -> memref<1x128xf32, #tpu.memory_space<vmem>>
          %dma_start3A_429 = tpu.memref_squeeze %dma_start3A_428 : memref<1x128xf32, #tpu.memory_space<vmem>> -> memref<128xf32, #tpu.memory_space<vmem>>
          %dma_start3A_430 = arith.constant 0 : i32
          %dma_start3A_431 = tpu.memref_slice %arg11[%while3A_425, %dma_start3A_430] : memref<16x128xi32, #tpu.memory_space<vmem>> -> memref<1x128xi32, #tpu.memory_space<vmem>>
          %dma_start3A_432 = tpu.memref_squeeze %dma_start3A_431 : memref<1x128xi32, #tpu.memory_space<vmem>> -> memref<128xi32, #tpu.memory_space<vmem>>
          %dma_start3A_433 = arith.constant 0 : i32
          %dma_start3A_434 = tpu.memref_slice %arg6[%dma_start3A_433] : memref<1843200xf32, #tpu.memory_space<vmem_shared>> -> memref<1843200xf32, #tpu.memory_space<vmem_shared>>
          tpu.enqueue_indirect_dma source(%dma_start3A_429 : memref<128xf32, #tpu.memory_space<vmem>>) target(%dma_start3A_434 : memref<1843200xf32, #tpu.memory_space<vmem_shared>>) offsets(%dma_start3A_432 : memref<128xi32, #tpu.memory_space<vmem>>) semaphore(%arg15 : memref<!tpu.dma_semaphore, #tpu.memory_space<semaphore_mem>>) {add = true}
          %while3A_435 = arith.constant 0 : i32
          scf.yield %while3A_435 : i32
        }
        %while3A_214 = arith.constant 1 : i32
        %while3A_215 = scf.for %while3A_425 = %while3A_211 to %while3A_207 step %while3A_214 iter_args(%while3A_426 = %while3A_213) -> (i32)  : i32 {
          %dma_start3A_427 = arith.constant 0 : i32
          %dma_start3A_428 = tpu.memref_slice %arg12[%while3A_425, %dma_start3A_427] : memref<16x128xf32, #tpu.memory_space<vmem>> -> memref<1x128xf32, #tpu.memory_space<vmem>>
          %dma_start3A_429 = tpu.memref_squeeze %dma_start3A_428 : memref<1x128xf32, #tpu.memory_space<vmem>> -> memref<128xf32, #tpu.memory_space<vmem>>
          %dma_start3A_430 = arith.constant 0 : i32
          %dma_start3A_431 = tpu.memref_slice %arg11[%while3A_425, %dma_start3A_430] : memref<16x128xi32, #tpu.memory_space<vmem>> -> memref<1x128xi32, #tpu.memory_space<vmem>>
          %dma_start3A_432 = tpu.memref_squeeze %dma_start3A_431 : memref<1x128xi32, #tpu.memory_space<vmem>> -> memref<128xi32, #tpu.memory_space<vmem>>
          %dma_start3A_433 = arith.constant 0 : i32
          %dma_start3A_434 = tpu.memref_slice %arg6[%dma_start3A_433] : memref<1843200xf32, #tpu.memory_space<vmem_shared>> -> memref<1843200xf32, #tpu.memory_space<vmem_shared>>
          tpu.enqueue_indirect_dma source(%dma_start3A_429 : memref<128xf32, #tpu.memory_space<vmem>>) target(%dma_start3A_434 : memref<1843200xf32, #tpu.memory_space<vmem_shared>>) offsets(%dma_start3A_432 : memref<128xi32, #tpu.memory_space<vmem>>) semaphore(%arg15 : memref<!tpu.dma_semaphore, #tpu.memory_space<semaphore_mem>>) {add = true}
          %while3A_435 = arith.constant 0 : i32
          scf.yield %while3A_435 : i32
        }
        %while3A_216 = arith.constant 0 : i32
        %while3A_217 = arith.constant 0 : i32
        %while3A_218 = arith.subi %select_n3A, %while3A_216 : i32
        %while3A_219 = arith.addi %while3A_216, %while3A_218 : i32
        %while3A_220 = arith.constant 1 : i32
        %while3A_221 = arith.divsi %while3A_218, %while3A_220 : i32
        %while3A_222 = arith.muli %while3A_221, %while3A_220 : i32
        %while3A_223 = arith.addi %while3A_216, %while3A_222 : i32
        %while3A_224 = arith.constant 1 : i32
        %while3A_225 = scf.for %while3A_425 = %while3A_216 to %while3A_223 step %while3A_224 iter_args(%while3A_426 = %while3A_217) -> (i32)  : i32 {
          %dma_wait3A_427 = arith.constant 0 : i32
          %dma_wait3A_428 = tpu.memref_slice %arg12[%while3A_425, %dma_wait3A_427] : memref<16x128xf32, #tpu.memory_space<vmem>> -> memref<1x128xf32, #tpu.memory_space<vmem>>
          %dma_wait3A_429 = tpu.memref_squeeze %dma_wait3A_428 : memref<1x128xf32, #tpu.memory_space<vmem>> -> memref<128xf32, #tpu.memory_space<vmem>>
          %dma_wait3A_430 = arith.constant 0 : i32
          %dma_wait3A_431 = tpu.memref_slice %arg11[%while3A_425, %dma_wait3A_430] : memref<16x128xi32, #tpu.memory_space<vmem>> -> memref<1x128xi32, #tpu.memory_space<vmem>>
          %dma_wait3A_432 = tpu.memref_squeeze %dma_wait3A_431 : memref<1x128xi32, #tpu.memory_space<vmem>> -> memref<128xi32, #tpu.memory_space<vmem>>
          %dma_wait3A_433 = arith.constant 0 : i32
          %dma_wait3A_434 = tpu.memref_slice %arg6[%dma_wait3A_433] : memref<1843200xf32, #tpu.memory_space<vmem_shared>> -> memref<1843200xf32, #tpu.memory_space<vmem_shared>>
          tpu.wait_indirect_dma semaphore(%arg15 : memref<!tpu.dma_semaphore, #tpu.memory_space<semaphore_mem>>) src(%dma_wait3A_429 : memref<128xf32, #tpu.memory_space<vmem>>) dst(%dma_wait3A_434 : memref<1843200xf32, #tpu.memory_space<vmem_shared>>)
          %while3A_435 = arith.constant 0 : i32
          scf.yield %while3A_435 : i32
        }
        %while3A_226 = arith.constant 1 : i32
        %while3A_227 = scf.for %while3A_425 = %while3A_223 to %while3A_219 step %while3A_226 iter_args(%while3A_426 = %while3A_225) -> (i32)  : i32 {
          %dma_wait3A_427 = arith.constant 0 : i32
          %dma_wait3A_428 = tpu.memref_slice %arg12[%while3A_425, %dma_wait3A_427] : memref<16x128xf32, #tpu.memory_space<vmem>> -> memref<1x128xf32, #tpu.memory_space<vmem>>
          %dma_wait3A_429 = tpu.memref_squeeze %dma_wait3A_428 : memref<1x128xf32, #tpu.memory_space<vmem>> -> memref<128xf32, #tpu.memory_space<vmem>>
          %dma_wait3A_430 = arith.constant 0 : i32
          %dma_wait3A_431 = tpu.memref_slice %arg11[%while3A_425, %dma_wait3A_430] : memref<16x128xi32, #tpu.memory_space<vmem>> -> memref<1x128xi32, #tpu.memory_space<vmem>>
          %dma_wait3A_432 = tpu.memref_squeeze %dma_wait3A_431 : memref<1x128xi32, #tpu.memory_space<vmem>> -> memref<128xi32, #tpu.memory_space<vmem>>
          %dma_wait3A_433 = arith.constant 0 : i32
          %dma_wait3A_434 = tpu.memref_slice %arg6[%dma_wait3A_433] : memref<1843200xf32, #tpu.memory_space<vmem_shared>> -> memref<1843200xf32, #tpu.memory_space<vmem_shared>>
          tpu.wait_indirect_dma semaphore(%arg15 : memref<!tpu.dma_semaphore, #tpu.memory_space<semaphore_mem>>) src(%dma_wait3A_429 : memref<128xf32, #tpu.memory_space<vmem>>) dst(%dma_wait3A_434 : memref<1843200xf32, #tpu.memory_space<vmem_shared>>)
          %while3A_435 = arith.constant 0 : i32
          scf.yield %while3A_435 : i32
        }
        %lt3A_228 = arith.constant 15 : i32
        %lt3A_229 = arith.cmpi slt, %scan3A_51, %lt3A_228 : i32
        %convert_element_type3A = arith.extui %lt3A_229 : i1 to i32
        %cond3A = arith.constant 0 : i32
        %cond3A_230 = arith.cmpi ne, %convert_element_type3A, %cond3A : i32
        scf.if %cond3A_230 {
          %mul3A_425 = arith.constant 2 : i32
          %mul3A_426 = arith.muli %mul3A_425, %scan3A_51 : i32
          %add3A_427 = arith.constant 2 : i32
          %add3A_428 = arith.addi %mul3A_426, %add3A_427 : i32
          %mul3A_429 = arith.constant 65536 : i32
          %mul3A_430 = arith.muli %arg1, %mul3A_429 : i32
          %mul3A_431 = arith.constant 2048 : i32
          %mul3A_432 = arith.muli %add3A_428, %mul3A_431 : i32
          %add3A_433 = arith.addi %mul3A_430, %mul3A_432 : i32
          %dma_start3A_434 = tpu.memref_slice %arg2[%add3A_433] : memref<1048576xi32, #tpu.memory_space<hbm>> -> memref<2048xi32, #tpu.memory_space<hbm>>
          %dma_start3A_435 = tpu.memref_slice %arg2[%add3A_433] : memref<1048576xi32, #tpu.memory_space<hbm>> -> memref<2048xi32, #tpu.memory_space<hbm>>
          tpu.enqueue_dma source(%dma_start3A_435 : memref<2048xi32, #tpu.memory_space<hbm>>) target(%arg7 : memref<2048xi32, #tpu.memory_space<vmem>>) target_semaphore(%arg13 : memref<!tpu.dma_semaphore, #tpu.memory_space<semaphore_mem>>)
          %dma_start3A_436 = tpu.memref_slice %arg3[%add3A_433] : memref<1048576xf32, #tpu.memory_space<hbm>> -> memref<2048xf32, #tpu.memory_space<hbm>>
          %dma_start3A_437 = tpu.memref_slice %arg3[%add3A_433] : memref<1048576xf32, #tpu.memory_space<hbm>> -> memref<2048xf32, #tpu.memory_space<hbm>>
          tpu.enqueue_dma source(%dma_start3A_437 : memref<2048xf32, #tpu.memory_space<hbm>>) target(%arg8 : memref<2048xf32, #tpu.memory_space<vmem>>) target_semaphore(%arg13 : memref<!tpu.dma_semaphore, #tpu.memory_space<semaphore_mem>>)
        } else {
        }
        %dma_wait3A_231 = arith.constant 0 : i32
        %dma_wait3A_232 = tpu.memref_slice %arg2[%dma_wait3A_231] : memref<1048576xi32, #tpu.memory_space<hbm>> -> memref<2048xi32, #tpu.memory_space<hbm>>
        %dma_wait3A_233 = arith.constant 0 : i32
        %dma_wait3A_234 = tpu.memref_slice %arg2[%dma_wait3A_233] : memref<1048576xi32, #tpu.memory_space<hbm>> -> memref<2048xi32, #tpu.memory_space<hbm>>
        tpu.wait_dma2 semaphore(%arg14 : memref<!tpu.dma_semaphore, #tpu.memory_space<semaphore_mem>>) src(%dma_wait3A_234 : memref<2048xi32, #tpu.memory_space<hbm>>) dst(%arg9 : memref<2048xi32, #tpu.memory_space<vmem>>)
        %dma_wait3A_235 = arith.constant 0 : i32
        %dma_wait3A_236 = tpu.memref_slice %arg3[%dma_wait3A_235] : memref<1048576xf32, #tpu.memory_space<hbm>> -> memref<2048xf32, #tpu.memory_space<hbm>>
        %dma_wait3A_237 = arith.constant 0 : i32
        %dma_wait3A_238 = tpu.memref_slice %arg3[%dma_wait3A_237] : memref<1048576xf32, #tpu.memory_space<hbm>> -> memref<2048xf32, #tpu.memory_space<hbm>>
        tpu.wait_dma2 semaphore(%arg14 : memref<!tpu.dma_semaphore, #tpu.memory_space<semaphore_mem>>) src(%dma_wait3A_238 : memref<2048xf32, #tpu.memory_space<hbm>>) dst(%arg10 : memref<2048xf32, #tpu.memory_space<vmem>>)
        %broadcast_in_dim3A_239 = arith.constant 1 : i32
        %broadcast_in_dim3A_240 = vector.broadcast %broadcast_in_dim3A_239 : i32 to vector<16xi32>
        %broadcast_in_dim3A_241 = arith.constant -1 : i32
        %broadcast_in_dim3A_242 = vector.broadcast %broadcast_in_dim3A_241 : i32 to vector<16xi32>
        %parallel_loop3A_243 = arith.constant 0 : i32
        %parallel_loop3A_244 = arith.constant 128 : i32
        %parallel_loop3A_245 = arith.constant 1 : i32
        %parallel_loop3A_246 = scf.for %parallel_loop3A_425 = %parallel_loop3A_243 to %parallel_loop3A_244 step %parallel_loop3A_245 iter_args(%parallel_loop3A_426 = %broadcast_in_dim3A_242) -> (vector<16xi32>)  : i32 {
          %parallel_loop3A_427 = arith.constant 16 : i32
          %parallel_loop3A_428 = arith.muli %parallel_loop3A_425, %parallel_loop3A_427 : i32
          %parallel_loop3A_429 = arith.index_cast %parallel_loop3A_428 : i32 to index
          %parallel_loop3A_430 = tpu.vector_load %arg9[%parallel_loop3A_429] {strides = array<i32>} : memref<2048xi32, #tpu.memory_space<vmem>>, vector<16xi32>,
          %parallel_loop3A_431 = vector.broadcast %mul3A_13 : i32 to vector<16xi32>
          %parallel_loop3A_432 = arith.subi %parallel_loop3A_430, %parallel_loop3A_431 : vector<16xi32>
          %parallel_loop3A_433 = vector.bitcast %parallel_loop3A_432 : vector<16xi32> to vector<16xi32>
          %parallel_loop3A_434 = arith.constant 1843200 : i32
          %parallel_loop3A_435 = vector.broadcast %parallel_loop3A_434 : i32 to vector<16xi32>
          %parallel_loop3A_436 = arith.cmpi ult, %parallel_loop3A_433, %parallel_loop3A_435 : vector<16xi32>
          %parallel_loop3A_437 = tpu.scan <sum>, %broadcast_in_dim3A_240 masked %parallel_loop3A_436 : vector<16xi32>, vector<16xi1> -> vector<16xi32>
          %parallel_loop3A_438 = arith.addi %parallel_loop3A_426, %parallel_loop3A_437 : vector<16xi32>
          %parallel_loop3A_439 = arith.constant 7 : i32
          %parallel_loop3A_440 = vector.broadcast %parallel_loop3A_439 : i32 to vector<16xi32>
          %parallel_loop3A_441 = arith.shrui %parallel_loop3A_438, %parallel_loop3A_440 : vector<16xi32>
          %parallel_loop3A_442 = arith.constant 127 : i32
          %parallel_loop3A_443 = vector.broadcast %parallel_loop3A_442 : i32 to vector<16xi32>
          %parallel_loop3A_444 = arith.andi %parallel_loop3A_438, %parallel_loop3A_443 : vector<16xi32>
          tpu.vector_store_idx %arg11[%parallel_loop3A_441, %parallel_loop3A_444], %parallel_loop3A_432 masked %parallel_loop3A_436 : memref<16x128xi32, #tpu.memory_space<vmem>>[vector<16xi32>, vector<16xi32>], vector<16xi32>, vector<16xi1>
          %parallel_loop3A_445 = arith.constant 16 : i32
          %parallel_loop3A_446 = arith.muli %parallel_loop3A_425, %parallel_loop3A_445 : i32
          %parallel_loop3A_447 = arith.index_cast %parallel_loop3A_446 : i32 to index
          %parallel_loop3A_448 = tpu.vector_load %arg10[%parallel_loop3A_447] {strides = array<i32>} : memref<2048xf32, #tpu.memory_space<vmem>>, vector<16xf32>,
          tpu.vector_store_idx %arg12[%parallel_loop3A_441, %parallel_loop3A_444], %parallel_loop3A_448 masked %parallel_loop3A_436 : memref<16x128xf32, #tpu.memory_space<vmem>>[vector<16xi32>, vector<16xi32>], vector<16xf32>, vector<16xi1>
          %parallel_loop3A_449 = tpu.all_reduce %parallel_loop3A_436 {dim = 0 : i64, kind = #tpu.reduction_kind<sum>} : vector<16xi1> -> vector<16xi32>
          %parallel_loop3A_450 = arith.addi %parallel_loop3A_426, %parallel_loop3A_449 : vector<16xi32>
          scf.yield %parallel_loop3A_450 : vector<16xi32>
        } {sc.loop_unroll_factor = 8 : i64, sc.parallel_access}
        %reduce_max3A_247 = arith.constant true
        %reduce_max3A_248 = vector.broadcast %reduce_max3A_247 : i1 to vector<16xi1>
        %reduce_max3A_249 = arith.constant -2147483648 : i32
        %reduce_max3A_250 = vector.broadcast %reduce_max3A_249 : i32 to vector<16xi32>
        %reduce_max3A_251 = arith.xori %parallel_loop3A_246, %reduce_max3A_250 : vector<16xi32>
        %reduce_max3A_252 = tpu.scan <max>, %reduce_max3A_251 masked %reduce_max3A_248 : vector<16xi32>, vector<16xi1> -> vector<16xi32>
        %reduce_max3A_253 = arith.xori %reduce_max3A_252, %reduce_max3A_250 : vector<16xi32>
        %reduce_max3A_254 = vector.extract %reduce_max3A_253[15] : i32 from vector<16xi32>
        %add3A_255 = arith.constant 1 : i32
        %add3A_256 = arith.addi %reduce_max3A_254, %add3A_255 : i32
        %add3A_257 = arith.constant 127 : i32
        %add3A_258 = arith.addi %add3A_256, %add3A_257 : i32
        %jit3A_259 = arith.constant 128 : i32
        %div3A_260 = arith.divsi %add3A_258, %jit3A_259 : i32
        %sign3A_261 = arith.constant 0 : i32
        %sign3A_262 = arith.cmpi sgt, %add3A_258, %sign3A_261 : i32
        %sign3A_263 = arith.extui %sign3A_262 : i1 to i32
        %sign3A_264 = arith.constant 0 : i32
        %sign3A_265 = arith.cmpi slt, %add3A_258, %sign3A_264 : i32
        %sign3A_266 = arith.extui %sign3A_265 : i1 to i32
        %sign3A_267 = arith.subi %sign3A_263, %sign3A_266 : i32
        %sign3A_268 = arith.constant 0 : i32
        %sign3A_269 = arith.cmpi sgt, %jit3A_259, %sign3A_268 : i32
        %sign3A_270 = arith.extui %sign3A_269 : i1 to i32
        %sign3A_271 = arith.constant 0 : i32
        %sign3A_272 = arith.cmpi slt, %jit3A_259, %sign3A_271 : i32
        %sign3A_273 = arith.extui %sign3A_272 : i1 to i32
        %sign3A_274 = arith.subi %sign3A_270, %sign3A_273 : i32
        %ne3A_275 = arith.cmpi ne, %sign3A_267, %sign3A_274 : i32
        %rem3A_276 = arith.remsi %add3A_258, %jit3A_259 : i32
        %ne3A_277 = arith.constant 0 : i32
        %ne3A_278 = arith.cmpi ne, %rem3A_276, %ne3A_277 : i32
        %and3A_279 = arith.andi %ne3A_275, %ne3A_278 : i1
        %sub3A_280 = arith.constant 1 : i32
        %sub3A_281 = arith.subi %div3A_260, %sub3A_280 : i32
        %select_n3A_282 = arith.select %and3A_279, %sub3A_281, %div3A_260 : i32
        %add3A_283 = arith.constant 0 : i32
        %add3A_284 = arith.addi %add3A_256, %add3A_283 : i32
        %add3A_285 = vector.broadcast %add3A_284 : i32 to vector<16xi32>
        %add3A_286 = arith.addi %add3A_285, %iota3A : vector<16xi32>
        %mul3A_287 = arith.constant 128 : i32
        %mul3A_288 = arith.muli %select_n3A_282, %mul3A_287 : i32
        %lt3A_289 = vector.broadcast %mul3A_288 : i32 to vector<16xi32>
        %lt3A_290 = arith.cmpi slt, %add3A_286, %lt3A_289 : vector<16xi32>
        %shift_right_logical3A_291 = arith.constant 7 : i32
        %shift_right_logical3A_292 = vector.broadcast %shift_right_logical3A_291 : i32 to vector<16xi32>
        %shift_right_logical3A_293 = arith.shrui %add3A_286, %shift_right_logical3A_292 : vector<16xi32>
        %and3A_294 = arith.constant 127 : i32
        %and3A_295 = vector.broadcast %and3A_294 : i32 to vector<16xi32>
        %and3A_296 = arith.andi %add3A_286, %and3A_295 : vector<16xi32>
        tpu.vector_store_idx %arg11[%shift_right_logical3A_293, %and3A_296], %and3A_296 masked %lt3A_290 : memref<16x128xi32, #tpu.memory_space<vmem>>[vector<16xi32>, vector<16xi32>], vector<16xi32>, vector<16xi1>
        tpu.vector_store_idx %arg12[%shift_right_logical3A_293, %and3A_296], %broadcast_in_dim3A_0 masked %lt3A_290 : memref<16x128xf32, #tpu.memory_space<vmem>>[vector<16xi32>, vector<16xi32>], vector<16xf32>, vector<16xi1>
        %add3A_297 = arith.constant 16 : i32
        %add3A_298 = arith.addi %add3A_256, %add3A_297 : i32
        %add3A_299 = vector.broadcast %add3A_298 : i32 to vector<16xi32>
        %add3A_300 = arith.addi %add3A_299, %iota3A : vector<16xi32>
        %mul3A_301 = arith.constant 128 : i32
        %mul3A_302 = arith.muli %select_n3A_282, %mul3A_301 : i32
        %lt3A_303 = vector.broadcast %mul3A_302 : i32 to vector<16xi32>
        %lt3A_304 = arith.cmpi slt, %add3A_300, %lt3A_303 : vector<16xi32>
        %shift_right_logical3A_305 = arith.constant 7 : i32
        %shift_right_logical3A_306 = vector.broadcast %shift_right_logical3A_305 : i32 to vector<16xi32>
        %shift_right_logical3A_307 = arith.shrui %add3A_300, %shift_right_logical3A_306 : vector<16xi32>
        %and3A_308 = arith.constant 127 : i32
        %and3A_309 = vector.broadcast %and3A_308 : i32 to vector<16xi32>
        %and3A_310 = arith.andi %add3A_300, %and3A_309 : vector<16xi32>
        tpu.vector_store_idx %arg11[%shift_right_logical3A_307, %and3A_310], %and3A_310 masked %lt3A_304 : memref<16x128xi32, #tpu.memory_space<vmem>>[vector<16xi32>, vector<16xi32>], vector<16xi32>, vector<16xi1>
        tpu.vector_store_idx %arg12[%shift_right_logical3A_307, %and3A_310], %broadcast_in_dim3A_0 masked %lt3A_304 : memref<16x128xf32, #tpu.memory_space<vmem>>[vector<16xi32>, vector<16xi32>], vector<16xf32>, vector<16xi1>
        %add3A_311 = arith.constant 32 : i32
        %add3A_312 = arith.addi %add3A_256, %add3A_311 : i32
        %add3A_313 = vector.broadcast %add3A_312 : i32 to vector<16xi32>
        %add3A_314 = arith.addi %add3A_313, %iota3A : vector<16xi32>
        %mul3A_315 = arith.constant 128 : i32
        %mul3A_316 = arith.muli %select_n3A_282, %mul3A_315 : i32
        %lt3A_317 = vector.broadcast %mul3A_316 : i32 to vector<16xi32>
        %lt3A_318 = arith.cmpi slt, %add3A_314, %lt3A_317 : vector<16xi32>
        %shift_right_logical3A_319 = arith.constant 7 : i32
        %shift_right_logical3A_320 = vector.broadcast %shift_right_logical3A_319 : i32 to vector<16xi32>
        %shift_right_logical3A_321 = arith.shrui %add3A_314, %shift_right_logical3A_320 : vector<16xi32>
        %and3A_322 = arith.constant 127 : i32
        %and3A_323 = vector.broadcast %and3A_322 : i32 to vector<16xi32>
        %and3A_324 = arith.andi %add3A_314, %and3A_323 : vector<16xi32>
        tpu.vector_store_idx %arg11[%shift_right_logical3A_321, %and3A_324], %and3A_324 masked %lt3A_318 : memref<16x128xi32, #tpu.memory_space<vmem>>[vector<16xi32>, vector<16xi32>], vector<16xi32>, vector<16xi1>
        tpu.vector_store_idx %arg12[%shift_right_logical3A_321, %and3A_324], %broadcast_in_dim3A_0 masked %lt3A_318 : memref<16x128xf32, #tpu.memory_space<vmem>>[vector<16xi32>, vector<16xi32>], vector<16xf32>, vector<16xi1>
        %add3A_325 = arith.constant 48 : i32
        %add3A_326 = arith.addi %add3A_256, %add3A_325 : i32
        %add3A_327 = vector.broadcast %add3A_326 : i32 to vector<16xi32>
        %add3A_328 = arith.addi %add3A_327, %iota3A : vector<16xi32>
        %mul3A_329 = arith.constant 128 : i32
        %mul3A_330 = arith.muli %select_n3A_282, %mul3A_329 : i32
        %lt3A_331 = vector.broadcast %mul3A_330 : i32 to vector<16xi32>
        %lt3A_332 = arith.cmpi slt, %add3A_328, %lt3A_331 : vector<16xi32>
        %shift_right_logical3A_333 = arith.constant 7 : i32
        %shift_right_logical3A_334 = vector.broadcast %shift_right_logical3A_333 : i32 to vector<16xi32>
        %shift_right_logical3A_335 = arith.shrui %add3A_328, %shift_right_logical3A_334 : vector<16xi32>
        %and3A_336 = arith.constant 127 : i32
        %and3A_337 = vector.broadcast %and3A_336 : i32 to vector<16xi32>
        %and3A_338 = arith.andi %add3A_328, %and3A_337 : vector<16xi32>
        tpu.vector_store_idx %arg11[%shift_right_logical3A_335, %and3A_338], %and3A_338 masked %lt3A_332 : memref<16x128xi32, #tpu.memory_space<vmem>>[vector<16xi32>, vector<16xi32>], vector<16xi32>, vector<16xi1>
        tpu.vector_store_idx %arg12[%shift_right_logical3A_335, %and3A_338], %broadcast_in_dim3A_0 masked %lt3A_332 : memref<16x128xf32, #tpu.memory_space<vmem>>[vector<16xi32>, vector<16xi32>], vector<16xf32>, vector<16xi1>
        %add3A_339 = arith.constant 64 : i32
        %add3A_340 = arith.addi %add3A_256, %add3A_339 : i32
        %add3A_341 = vector.broadcast %add3A_340 : i32 to vector<16xi32>
        %add3A_342 = arith.addi %add3A_341, %iota3A : vector<16xi32>
        %mul3A_343 = arith.constant 128 : i32
        %mul3A_344 = arith.muli %select_n3A_282, %mul3A_343 : i32
        %lt3A_345 = vector.broadcast %mul3A_344 : i32 to vector<16xi32>
        %lt3A_346 = arith.cmpi slt, %add3A_342, %lt3A_345 : vector<16xi32>
        %shift_right_logical3A_347 = arith.constant 7 : i32
        %shift_right_logical3A_348 = vector.broadcast %shift_right_logical3A_347 : i32 to vector<16xi32>
        %shift_right_logical3A_349 = arith.shrui %add3A_342, %shift_right_logical3A_348 : vector<16xi32>
        %and3A_350 = arith.constant 127 : i32
        %and3A_351 = vector.broadcast %and3A_350 : i32 to vector<16xi32>
        %and3A_352 = arith.andi %add3A_342, %and3A_351 : vector<16xi32>
        tpu.vector_store_idx %arg11[%shift_right_logical3A_349, %and3A_352], %and3A_352 masked %lt3A_346 : memref<16x128xi32, #tpu.memory_space<vmem>>[vector<16xi32>, vector<16xi32>], vector<16xi32>, vector<16xi1>
        tpu.vector_store_idx %arg12[%shift_right_logical3A_349, %and3A_352], %broadcast_in_dim3A_0 masked %lt3A_346 : memref<16x128xf32, #tpu.memory_space<vmem>>[vector<16xi32>, vector<16xi32>], vector<16xf32>, vector<16xi1>
        %add3A_353 = arith.constant 80 : i32
        %add3A_354 = arith.addi %add3A_256, %add3A_353 : i32
        %add3A_355 = vector.broadcast %add3A_354 : i32 to vector<16xi32>
        %add3A_356 = arith.addi %add3A_355, %iota3A : vector<16xi32>
        %mul3A_357 = arith.constant 128 : i32
        %mul3A_358 = arith.muli %select_n3A_282, %mul3A_357 : i32
        %lt3A_359 = vector.broadcast %mul3A_358 : i32 to vector<16xi32>
        %lt3A_360 = arith.cmpi slt, %add3A_356, %lt3A_359 : vector<16xi32>
        %shift_right_logical3A_361 = arith.constant 7 : i32
        %shift_right_logical3A_362 = vector.broadcast %shift_right_logical3A_361 : i32 to vector<16xi32>
        %shift_right_logical3A_363 = arith.shrui %add3A_356, %shift_right_logical3A_362 : vector<16xi32>
        %and3A_364 = arith.constant 127 : i32
        %and3A_365 = vector.broadcast %and3A_364 : i32 to vector<16xi32>
        %and3A_366 = arith.andi %add3A_356, %and3A_365 : vector<16xi32>
        tpu.vector_store_idx %arg11[%shift_right_logical3A_363, %and3A_366], %and3A_366 masked %lt3A_360 : memref<16x128xi32, #tpu.memory_space<vmem>>[vector<16xi32>, vector<16xi32>], vector<16xi32>, vector<16xi1>
        tpu.vector_store_idx %arg12[%shift_right_logical3A_363, %and3A_366], %broadcast_in_dim3A_0 masked %lt3A_360 : memref<16x128xf32, #tpu.memory_space<vmem>>[vector<16xi32>, vector<16xi32>], vector<16xf32>, vector<16xi1>
        %add3A_367 = arith.constant 96 : i32
        %add3A_368 = arith.addi %add3A_256, %add3A_367 : i32
        %add3A_369 = vector.broadcast %add3A_368 : i32 to vector<16xi32>
        %add3A_370 = arith.addi %add3A_369, %iota3A : vector<16xi32>
        %mul3A_371 = arith.constant 128 : i32
        %mul3A_372 = arith.muli %select_n3A_282, %mul3A_371 : i32
        %lt3A_373 = vector.broadcast %mul3A_372 : i32 to vector<16xi32>
        %lt3A_374 = arith.cmpi slt, %add3A_370, %lt3A_373 : vector<16xi32>
        %shift_right_logical3A_375 = arith.constant 7 : i32
        %shift_right_logical3A_376 = vector.broadcast %shift_right_logical3A_375 : i32 to vector<16xi32>
        %shift_right_logical3A_377 = arith.shrui %add3A_370, %shift_right_logical3A_376 : vector<16xi32>
        %and3A_378 = arith.constant 127 : i32
        %and3A_379 = vector.broadcast %and3A_378 : i32 to vector<16xi32>
        %and3A_380 = arith.andi %add3A_370, %and3A_379 : vector<16xi32>
        tpu.vector_store_idx %arg11[%shift_right_logical3A_377, %and3A_380], %and3A_380 masked %lt3A_374 : memref<16x128xi32, #tpu.memory_space<vmem>>[vector<16xi32>, vector<16xi32>], vector<16xi32>, vector<16xi1>
        tpu.vector_store_idx %arg12[%shift_right_logical3A_377, %and3A_380], %broadcast_in_dim3A_0 masked %lt3A_374 : memref<16x128xf32, #tpu.memory_space<vmem>>[vector<16xi32>, vector<16xi32>], vector<16xf32>, vector<16xi1>
        %add3A_381 = arith.constant 112 : i32
        %add3A_382 = arith.addi %add3A_256, %add3A_381 : i32
        %add3A_383 = vector.broadcast %add3A_382 : i32 to vector<16xi32>
        %add3A_384 = arith.addi %add3A_383, %iota3A : vector<16xi32>
        %mul3A_385 = arith.constant 128 : i32
        %mul3A_386 = arith.muli %select_n3A_282, %mul3A_385 : i32
        %lt3A_387 = vector.broadcast %mul3A_386 : i32 to vector<16xi32>
        %lt3A_388 = arith.cmpi slt, %add3A_384, %lt3A_387 : vector<16xi32>
        %shift_right_logical3A_389 = arith.constant 7 : i32
        %shift_right_logical3A_390 = vector.broadcast %shift_right_logical3A_389 : i32 to vector<16xi32>
        %shift_right_logical3A_391 = arith.shrui %add3A_384, %shift_right_logical3A_390 : vector<16xi32>
        %and3A_392 = arith.constant 127 : i32
        %and3A_393 = vector.broadcast %and3A_392 : i32 to vector<16xi32>
        %and3A_394 = arith.andi %add3A_384, %and3A_393 : vector<16xi32>
        tpu.vector_store_idx %arg11[%shift_right_logical3A_391, %and3A_394], %and3A_394 masked %lt3A_388 : memref<16x128xi32, #tpu.memory_space<vmem>>[vector<16xi32>, vector<16xi32>], vector<16xi32>, vector<16xi1>
        tpu.vector_store_idx %arg12[%shift_right_logical3A_391, %and3A_394], %broadcast_in_dim3A_0 masked %lt3A_388 : memref<16x128xf32, #tpu.memory_space<vmem>>[vector<16xi32>, vector<16xi32>], vector<16xf32>, vector<16xi1>
        %while3A_395 = arith.constant 0 : i32
        %while3A_396 = arith.constant 0 : i32
        %while3A_397 = arith.subi %select_n3A_282, %while3A_395 : i32
        %while3A_398 = arith.addi %while3A_395, %while3A_397 : i32
        %while3A_399 = arith.constant 1 : i32
        %while3A_400 = arith.divsi %while3A_397, %while3A_399 : i32
        %while3A_401 = arith.muli %while3A_400, %while3A_399 : i32
        %while3A_402 = arith.addi %while3A_395, %while3A_401 : i32
        %while3A_403 = arith.constant 1 : i32
        %while3A_404 = scf.for %while3A_425 = %while3A_395 to %while3A_402 step %while3A_403 iter_args(%while3A_426 = %while3A_396) -> (i32)  : i32 {
          %dma_start3A_427 = arith.constant 0 : i32
          %dma_start3A_428 = tpu.memref_slice %arg12[%while3A_425, %dma_start3A_427] : memref<16x128xf32, #tpu.memory_space<vmem>> -> memref<1x128xf32, #tpu.memory_space<vmem>>
          %dma_start3A_429 = tpu.memref_squeeze %dma_start3A_428 : memref<1x128xf32, #tpu.memory_space<vmem>> -> memref<128xf32, #tpu.memory_space<vmem>>
          %dma_start3A_430 = arith.constant 0 : i32
          %dma_start3A_431 = tpu.memref_slice %arg11[%while3A_425, %dma_start3A_430] : memref<16x128xi32, #tpu.memory_space<vmem>> -> memref<1x128xi32, #tpu.memory_space<vmem>>
          %dma_start3A_432 = tpu.memref_squeeze %dma_start3A_431 : memref<1x128xi32, #tpu.memory_space<vmem>> -> memref<128xi32, #tpu.memory_space<vmem>>
          %dma_start3A_433 = arith.constant 0 : i32
          %dma_start3A_434 = tpu.memref_slice %arg6[%dma_start3A_433] : memref<1843200xf32, #tpu.memory_space<vmem_shared>> -> memref<1843200xf32, #tpu.memory_space<vmem_shared>>
          tpu.enqueue_indirect_dma source(%dma_start3A_429 : memref<128xf32, #tpu.memory_space<vmem>>) target(%dma_start3A_434 : memref<1843200xf32, #tpu.memory_space<vmem_shared>>) offsets(%dma_start3A_432 : memref<128xi32, #tpu.memory_space<vmem>>) semaphore(%arg15 : memref<!tpu.dma_semaphore, #tpu.memory_space<semaphore_mem>>) {add = true}
          %while3A_435 = arith.constant 0 : i32
          scf.yield %while3A_435 : i32
        }
        %while3A_405 = arith.constant 1 : i32
        %while3A_406 = scf.for %while3A_425 = %while3A_402 to %while3A_398 step %while3A_405 iter_args(%while3A_426 = %while3A_404) -> (i32)  : i32 {
          %dma_start3A_427 = arith.constant 0 : i32
          %dma_start3A_428 = tpu.memref_slice %arg12[%while3A_425, %dma_start3A_427] : memref<16x128xf32, #tpu.memory_space<vmem>> -> memref<1x128xf32, #tpu.memory_space<vmem>>
          %dma_start3A_429 = tpu.memref_squeeze %dma_start3A_428 : memref<1x128xf32, #tpu.memory_space<vmem>> -> memref<128xf32, #tpu.memory_space<vmem>>
          %dma_start3A_430 = arith.constant 0 : i32
          %dma_start3A_431 = tpu.memref_slice %arg11[%while3A_425, %dma_start3A_430] : memref<16x128xi32, #tpu.memory_space<vmem>> -> memref<1x128xi32, #tpu.memory_space<vmem>>
          %dma_start3A_432 = tpu.memref_squeeze %dma_start3A_431 : memref<1x128xi32, #tpu.memory_space<vmem>> -> memref<128xi32, #tpu.memory_space<vmem>>
          %dma_start3A_433 = arith.constant 0 : i32
          %dma_start3A_434 = tpu.memref_slice %arg6[%dma_start3A_433] : memref<1843200xf32, #tpu.memory_space<vmem_shared>> -> memref<1843200xf32, #tpu.memory_space<vmem_shared>>
          tpu.enqueue_indirect_dma source(%dma_start3A_429 : memref<128xf32, #tpu.memory_space<vmem>>) target(%dma_start3A_434 : memref<1843200xf32, #tpu.memory_space<vmem_shared>>) offsets(%dma_start3A_432 : memref<128xi32, #tpu.memory_space<vmem>>) semaphore(%arg15 : memref<!tpu.dma_semaphore, #tpu.memory_space<semaphore_mem>>) {add = true}
          %while3A_435 = arith.constant 0 : i32
          scf.yield %while3A_435 : i32
        }
        %while3A_407 = arith.constant 0 : i32
        %while3A_408 = arith.constant 0 : i32
        %while3A_409 = arith.subi %select_n3A_282, %while3A_407 : i32
        %while3A_410 = arith.addi %while3A_407, %while3A_409 : i32
        %while3A_411 = arith.constant 1 : i32
        %while3A_412 = arith.divsi %while3A_409, %while3A_411 : i32
        %while3A_413 = arith.muli %while3A_412, %while3A_411 : i32
        %while3A_414 = arith.addi %while3A_407, %while3A_413 : i32
        %while3A_415 = arith.constant 1 : i32
        %while3A_416 = scf.for %while3A_425 = %while3A_407 to %while3A_414 step %while3A_415 iter_args(%while3A_426 = %while3A_408) -> (i32)  : i32 {
          %dma_wait3A_427 = arith.constant 0 : i32
          %dma_wait3A_428 = tpu.memref_slice %arg12[%while3A_425, %dma_wait3A_427] : memref<16x128xf32, #tpu.memory_space<vmem>> -> memref<1x128xf32, #tpu.memory_space<vmem>>
          %dma_wait3A_429 = tpu.memref_squeeze %dma_wait3A_428 : memref<1x128xf32, #tpu.memory_space<vmem>> -> memref<128xf32, #tpu.memory_space<vmem>>
          %dma_wait3A_430 = arith.constant 0 : i32
          %dma_wait3A_431 = tpu.memref_slice %arg11[%while3A_425, %dma_wait3A_430] : memref<16x128xi32, #tpu.memory_space<vmem>> -> memref<1x128xi32, #tpu.memory_space<vmem>>
          %dma_wait3A_432 = tpu.memref_squeeze %dma_wait3A_431 : memref<1x128xi32, #tpu.memory_space<vmem>> -> memref<128xi32, #tpu.memory_space<vmem>>
          %dma_wait3A_433 = arith.constant 0 : i32
          %dma_wait3A_434 = tpu.memref_slice %arg6[%dma_wait3A_433] : memref<1843200xf32, #tpu.memory_space<vmem_shared>> -> memref<1843200xf32, #tpu.memory_space<vmem_shared>>
          tpu.wait_indirect_dma semaphore(%arg15 : memref<!tpu.dma_semaphore, #tpu.memory_space<semaphore_mem>>) src(%dma_wait3A_429 : memref<128xf32, #tpu.memory_space<vmem>>) dst(%dma_wait3A_434 : memref<1843200xf32, #tpu.memory_space<vmem_shared>>)
          %while3A_435 = arith.constant 0 : i32
          scf.yield %while3A_435 : i32
        }
        %while3A_417 = arith.constant 1 : i32
        %while3A_418 = scf.for %while3A_425 = %while3A_414 to %while3A_410 step %while3A_417 iter_args(%while3A_426 = %while3A_416) -> (i32)  : i32 {
          %dma_wait3A_427 = arith.constant 0 : i32
          %dma_wait3A_428 = tpu.memref_slice %arg12[%while3A_425, %dma_wait3A_427] : memref<16x128xf32, #tpu.memory_space<vmem>> -> memref<1x128xf32, #tpu.memory_space<vmem>>
          %dma_wait3A_429 = tpu.memref_squeeze %dma_wait3A_428 : memref<1x128xf32, #tpu.memory_space<vmem>> -> memref<128xf32, #tpu.memory_space<vmem>>
          %dma_wait3A_430 = arith.constant 0 : i32
          %dma_wait3A_431 = tpu.memref_slice %arg11[%while3A_425, %dma_wait3A_430] : memref<16x128xi32, #tpu.memory_space<vmem>> -> memref<1x128xi32, #tpu.memory_space<vmem>>
          %dma_wait3A_432 = tpu.memref_squeeze %dma_wait3A_431 : memref<1x128xi32, #tpu.memory_space<vmem>> -> memref<128xi32, #tpu.memory_space<vmem>>
          %dma_wait3A_433 = arith.constant 0 : i32
          %dma_wait3A_434 = tpu.memref_slice %arg6[%dma_wait3A_433] : memref<1843200xf32, #tpu.memory_space<vmem_shared>> -> memref<1843200xf32, #tpu.memory_space<vmem_shared>>
          tpu.wait_indirect_dma semaphore(%arg15 : memref<!tpu.dma_semaphore, #tpu.memory_space<semaphore_mem>>) src(%dma_wait3A_429 : memref<128xf32, #tpu.memory_space<vmem>>) dst(%dma_wait3A_434 : memref<1843200xf32, #tpu.memory_space<vmem_shared>>)
          %while3A_435 = arith.constant 0 : i32
          scf.yield %while3A_435 : i32
        }
        %lt3A_419 = arith.constant 15 : i32
        %lt3A_420 = arith.cmpi slt, %scan3A_51, %lt3A_419 : i32
        %convert_element_type3A_421 = arith.extui %lt3A_420 : i1 to i32
        %cond3A_422 = arith.constant 0 : i32
        %cond3A_423 = arith.cmpi ne, %convert_element_type3A_421, %cond3A_422 : i32
        scf.if %cond3A_423 {
          %mul3A_425 = arith.constant 2 : i32
          %mul3A_426 = arith.muli %mul3A_425, %scan3A_51 : i32
          %add3A_427 = arith.constant 3 : i32
          %add3A_428 = arith.addi %mul3A_426, %add3A_427 : i32
          %mul3A_429 = arith.constant 65536 : i32
          %mul3A_430 = arith.muli %arg1, %mul3A_429 : i32
          %mul3A_431 = arith.constant 2048 : i32
          %mul3A_432 = arith.muli %add3A_428, %mul3A_431 : i32
          %add3A_433 = arith.addi %mul3A_430, %mul3A_432 : i32
          %dma_start3A_434 = tpu.memref_slice %arg2[%add3A_433] : memref<1048576xi32, #tpu.memory_space<hbm>> -> memref<2048xi32, #tpu.memory_space<hbm>>
          %dma_start3A_435 = tpu.memref_slice %arg2[%add3A_433] : memref<1048576xi32, #tpu.memory_space<hbm>> -> memref<2048xi32, #tpu.memory_space<hbm>>
          tpu.enqueue_dma source(%dma_start3A_435 : memref<2048xi32, #tpu.memory_space<hbm>>) target(%arg9 : memref<2048xi32, #tpu.memory_space<vmem>>) target_semaphore(%arg14 : memref<!tpu.dma_semaphore, #tpu.memory_space<semaphore_mem>>)
          %dma_start3A_436 = tpu.memref_slice %arg3[%add3A_433] : memref<1048576xf32, #tpu.memory_space<hbm>> -> memref<2048xf32, #tpu.memory_space<hbm>>
          %dma_start3A_437 = tpu.memref_slice %arg3[%add3A_433] : memref<1048576xf32, #tpu.memory_space<hbm>> -> memref<2048xf32, #tpu.memory_space<hbm>>
          tpu.enqueue_dma source(%dma_start3A_437 : memref<2048xf32, #tpu.memory_space<hbm>>) target(%arg10 : memref<2048xf32, #tpu.memory_space<vmem>>) target_semaphore(%arg14 : memref<!tpu.dma_semaphore, #tpu.memory_space<semaphore_mem>>)
        } else {
        }
        %scan3A_424 = arith.constant 0 : i32
        scf.yield %scan3A_424 : i32
      }
      %scan3A_42 = arith.constant 16 : i32
      %barrier3A_43 = arith.constant 0 : index
      tpu.barrier barrier_id(%barrier3A_43)
      %mul3A_44 = arith.constant 115200 : i32
      %mul3A_45 = arith.muli %arg1, %mul3A_44 : i32
      %mul3A_46 = arith.constant 115200 : i32
      %mul3A_47 = arith.muli %arg1, %mul3A_46 : i32
      %add3A_48 = arith.addi %mul3A_16, %mul3A_47 : i32
      "tpu.region"() ({
        %run_scoped3A = tpu.sem_alloc : memref<!tpu.dma_semaphore, #tpu.memory_space<semaphore_mem>>
        %dma_start3A_51 = tpu.memref_slice %arg5[%add3A_48] : memref<18432000xf32, #tpu.memory_space<hbm>> -> memref<115200xf32, #tpu.memory_space<hbm>>
        %dma_start3A_52 = tpu.memref_slice %arg6[%mul3A_45] : memref<1843200xf32, #tpu.memory_space<vmem_shared>> -> memref<115200xf32, #tpu.memory_space<vmem_shared>>
        tpu.enqueue_dma source(%dma_start3A_52 : memref<115200xf32, #tpu.memory_space<vmem_shared>>) target(%dma_start3A_51 : memref<115200xf32, #tpu.memory_space<hbm>>) target_semaphore(%run_scoped3A : memref<!tpu.dma_semaphore, #tpu.memory_space<semaphore_mem>>)
        %dma_wait3A = tpu.memref_slice %arg5[%add3A_48] : memref<18432000xf32, #tpu.memory_space<hbm>> -> memref<115200xf32, #tpu.memory_space<hbm>>
        %dma_wait3A_53 = tpu.memref_slice %arg6[%mul3A_45] : memref<1843200xf32, #tpu.memory_space<vmem_shared>> -> memref<115200xf32, #tpu.memory_space<vmem_shared>>
        tpu.wait_dma2 semaphore(%run_scoped3A : memref<!tpu.dma_semaphore, #tpu.memory_space<semaphore_mem>>) src(%dma_wait3A_53 : memref<115200xf32, #tpu.memory_space<vmem_shared>>) dst(%dma_wait3A : memref<115200xf32, #tpu.memory_space<hbm>>)
        tpu.yield
      }) : () -> ()
      %barrier3A_49 = arith.constant 0 : index
      tpu.barrier barrier_id(%barrier3A_49)
      %scan3A_50 = arith.constant 0 : i32
      scf.yield %scan3A_50 : i32
    }
    %scan3A_6 = arith.constant 5 : i32
    return
  }
}

module attributes {stable_mosaic.version = 14 : i64} {
  func.func @_tc_body(%arg0: i32, %arg1: memref<256x128xf32, #tpu.memory_space<vmem>>, %arg2: memref<256x128xf32, #tpu.memory_space<vmem>>, %arg3: memref<256x128xf32, #tpu.memory_space<vmem>>, %arg4: memref<256x128xi32, #tpu.memory_space<vmem>>, %arg5: memref<256x128xi32, #tpu.memory_space<vmem>>, %arg6: memref<3x16xf32, #tpu.memory_space<vmem>>, %arg7: memref<1x16xf32, #tpu.memory_space<vmem>>, %arg8: memref<256x128xi32, #tpu.memory_space<vmem>>, %arg9: memref<256x128xf32, #tpu.memory_space<vmem>>, %arg10: memref<8x16xf32, #tpu.memory_space<vmem>>) attributes {dimension_semantics = [#tpu.dimension_semantics<arbitrary>], iteration_bounds = array<i64: 32>, scalar_prefetch = 0 : i64, scratch_operands = 1 : i64, tpu.core_type = #tpu.core_type<tc>, window_params = [{transform_indices = @transform_0, window_bounds = array<i64: 256, 128>}, {transform_indices = @transform_1, window_bounds = array<i64: 256, 128>}, {transform_indices = @transform_2, window_bounds = array<i64: 256, 128>}, {transform_indices = @transform_3, window_bounds = array<i64: 256, 128>}, {transform_indices = @transform_4, window_bounds = array<i64: 256, 128>}, {pipeline_mode = #tpu.pipeline_mode<synchronous>, transform_indices = @transform_5, window_bounds = array<i64: 3, 16>}, {pipeline_mode = #tpu.pipeline_mode<synchronous>, transform_indices = @transform_6, window_bounds = array<i64: 1, 16>}, {transform_indices = @transform_7, window_bounds = array<i64: 256, 128>}, {transform_indices = @transform_8, window_bounds = array<i64: 256, 128>}]} {
    %get3A = arith.constant 0 : index
    %get3A_0 = arith.constant 0 : index
    %get3A_1 = vector.load %arg7[%get3A, %get3A_0] : memref<1x16xf32, #tpu.memory_space<vmem>>, vector<1x16xf32>
    %neg3A = arith.constant 0.000000e+00 : f32
    %neg3A_2 = vector.broadcast %neg3A : f32 to vector<1x16xf32>
    %neg3A_3 = arith.subf %neg3A_2, %get3A_1 : vector<1x16xf32>
    %cos3A = math.cos %neg3A_3 : vector<1x16xf32>
    %get3A_4 = arith.constant 0 : index
    %get3A_5 = arith.constant 0 : index
    %get3A_6 = vector.load %arg7[%get3A_4, %get3A_5] : memref<1x16xf32, #tpu.memory_space<vmem>>, vector<1x16xf32>
    %neg3A_7 = arith.constant 0.000000e+00 : f32
    %neg3A_8 = vector.broadcast %neg3A_7 : f32 to vector<1x16xf32>
    %neg3A_9 = arith.subf %neg3A_8, %get3A_6 : vector<1x16xf32>
    %sin3A = math.sin %neg3A_9 : vector<1x16xf32>
    %get3A_10 = arith.constant 0 : index
    %get3A_11 = arith.constant 0 : index
    %get3A_12 = vector.load %arg6[%get3A_10, %get3A_11] : memref<3x16xf32, #tpu.memory_space<vmem>>, vector<1x16xf32>
    %get3A_13 = arith.constant 1 : index
    %get3A_14 = arith.constant 0 : index
    %get3A_15 = vector.load %arg6[%get3A_13, %get3A_14] : memref<3x16xf32, #tpu.memory_space<vmem>>, vector<1x16xf32>
    %get3A_16 = arith.constant 2 : index
    %get3A_17 = arith.constant 0 : index
    %get3A_18 = vector.load %arg6[%get3A_16, %get3A_17] : memref<3x16xf32, #tpu.memory_space<vmem>>, vector<1x16xf32>
    %swap3A = arith.constant 0 : index
    %swap3A_19 = arith.constant 0 : index
    %swap3A_20 = vector.load %arg10[%swap3A, %swap3A_19] : memref<8x16xf32, #tpu.memory_space<vmem>>, vector<1x16xf32>
    tpu.vector_store %arg10[%swap3A, %swap3A_19], %cos3A {strides = array<i32>} : memref<8x16xf32, #tpu.memory_space<vmem>>, vector<1x16xf32>,
    %swap3A_21 = arith.constant 1 : index
    %swap3A_22 = arith.constant 0 : index
    %swap3A_23 = vector.load %arg10[%swap3A_21, %swap3A_22] : memref<8x16xf32, #tpu.memory_space<vmem>>, vector<1x16xf32>
    tpu.vector_store %arg10[%swap3A_21, %swap3A_22], %sin3A {strides = array<i32>} : memref<8x16xf32, #tpu.memory_space<vmem>>, vector<1x16xf32>,
    %swap3A_24 = arith.constant 2 : index
    %swap3A_25 = arith.constant 0 : index
    %swap3A_26 = vector.load %arg10[%swap3A_24, %swap3A_25] : memref<8x16xf32, #tpu.memory_space<vmem>>, vector<1x16xf32>
    tpu.vector_store %arg10[%swap3A_24, %swap3A_25], %get3A_12 {strides = array<i32>} : memref<8x16xf32, #tpu.memory_space<vmem>>, vector<1x16xf32>,
    %swap3A_27 = arith.constant 3 : index
    %swap3A_28 = arith.constant 0 : index
    %swap3A_29 = vector.load %arg10[%swap3A_27, %swap3A_28] : memref<8x16xf32, #tpu.memory_space<vmem>>, vector<1x16xf32>
    tpu.vector_store %arg10[%swap3A_27, %swap3A_28], %get3A_15 {strides = array<i32>} : memref<8x16xf32, #tpu.memory_space<vmem>>, vector<1x16xf32>,
    %swap3A_30 = arith.constant 4 : index
    %swap3A_31 = arith.constant 0 : index
    %swap3A_32 = vector.load %arg10[%swap3A_30, %swap3A_31] : memref<8x16xf32, #tpu.memory_space<vmem>>, vector<1x16xf32>
    tpu.vector_store %arg10[%swap3A_30, %swap3A_31], %get3A_18 {strides = array<i32>} : memref<8x16xf32, #tpu.memory_space<vmem>>, vector<1x16xf32>,
    %get3A_33 = arith.constant 0 : index
    %get3A_34 = arith.constant 0 : index
    %get3A_35 = vector.load %arg1[%get3A_33, %get3A_34] : memref<256x128xf32, #tpu.memory_space<vmem>>, vector<256x128xf32>
    %get3A_36 = arith.constant 0 : index
    %get3A_37 = arith.constant 0 : index
    %get3A_38 = vector.load %arg2[%get3A_36, %get3A_37] : memref<256x128xf32, #tpu.memory_space<vmem>>, vector<256x128xf32>
    %get3A_39 = arith.constant 0 : index
    %get3A_40 = arith.constant 0 : index
    %get3A_41 = vector.load %arg3[%get3A_39, %get3A_40] : memref<256x128xf32, #tpu.memory_space<vmem>>, vector<256x128xf32>
    %get3A_42 = arith.constant 0 : index
    %get3A_43 = arith.constant 0 : index
    %get3A_44 = vector.load %arg4[%get3A_42, %get3A_43] : memref<256x128xi32, #tpu.memory_space<vmem>>, vector<256x128xi32>
    %get3A_45 = arith.constant 0 : index
    %get3A_46 = arith.constant 0 : index
    %get3A_47 = vector.load %arg5[%get3A_45, %get3A_46] : memref<256x128xi32, #tpu.memory_space<vmem>>, vector<256x128xi32>
    %broadcast_in_dim3A = arith.constant 0.000000e+00 : f32
    %broadcast_in_dim3A_48 = vector.broadcast %broadcast_in_dim3A : f32 to vector<256x128xf32>
    %broadcast_in_dim3A_49 = arith.constant 0.000000e+00 : f32
    %broadcast_in_dim3A_50 = vector.broadcast %broadcast_in_dim3A_49 : f32 to vector<256x128xf32>
    %broadcast_in_dim3A_51 = arith.constant 0.000000e+00 : f32
    %broadcast_in_dim3A_52 = vector.broadcast %broadcast_in_dim3A_51 : f32 to vector<256x128xf32>
    %broadcast_in_dim3A_53 = arith.constant 0.000000e+00 : f32
    %broadcast_in_dim3A_54 = vector.broadcast %broadcast_in_dim3A_53 : f32 to vector<256x128xf32>
    %broadcast_in_dim3A_55 = arith.constant 0.000000e+00 : f32
    %broadcast_in_dim3A_56 = vector.broadcast %broadcast_in_dim3A_55 : f32 to vector<256x128xf32>
    %eq3A = arith.constant 0 : i32
    %eq3A_57 = vector.broadcast %eq3A : i32 to vector<256x128xi32>
    %eq3A_58 = arith.cmpi eq, %get3A_44, %eq3A_57 : vector<256x128xi32>
    %get3A_59 = arith.constant 0 : index
    %get3A_60 = arith.constant 0 : index
    %get3A_61 = vector.load %arg10[%get3A_59, %get3A_60] : memref<8x16xf32, #tpu.memory_space<vmem>>, vector<1x1xf32>
    %get3A_62 = vector.extract %get3A_61[0, 0] : f32 from vector<1x1xf32>
    %broadcast_in_dim3A_63 = vector.broadcast %get3A_62 : f32 to vector<256x128xf32>
    %select_n3A = arith.select %eq3A_58, %broadcast_in_dim3A_63, %broadcast_in_dim3A_48 : vector<256x128xi1>, vector<256x128xf32>
    %get3A_64 = arith.constant 1 : index
    %get3A_65 = arith.constant 0 : index
    %get3A_66 = vector.load %arg10[%get3A_64, %get3A_65] : memref<8x16xf32, #tpu.memory_space<vmem>>, vector<1x1xf32>
    %get3A_67 = vector.extract %get3A_66[0, 0] : f32 from vector<1x1xf32>
    %broadcast_in_dim3A_68 = vector.broadcast %get3A_67 : f32 to vector<256x128xf32>
    %select_n3A_69 = arith.select %eq3A_58, %broadcast_in_dim3A_68, %broadcast_in_dim3A_50 : vector<256x128xi1>, vector<256x128xf32>
    %get3A_70 = arith.constant 2 : index
    %get3A_71 = arith.constant 0 : index
    %get3A_72 = vector.load %arg10[%get3A_70, %get3A_71] : memref<8x16xf32, #tpu.memory_space<vmem>>, vector<1x1xf32>
    %get3A_73 = vector.extract %get3A_72[0, 0] : f32 from vector<1x1xf32>
    %broadcast_in_dim3A_74 = vector.broadcast %get3A_73 : f32 to vector<256x128xf32>
    %select_n3A_75 = arith.select %eq3A_58, %broadcast_in_dim3A_74, %broadcast_in_dim3A_52 : vector<256x128xi1>, vector<256x128xf32>
    %get3A_76 = arith.constant 3 : index
    %get3A_77 = arith.constant 0 : index
    %get3A_78 = vector.load %arg10[%get3A_76, %get3A_77] : memref<8x16xf32, #tpu.memory_space<vmem>>, vector<1x1xf32>
    %get3A_79 = vector.extract %get3A_78[0, 0] : f32 from vector<1x1xf32>
    %broadcast_in_dim3A_80 = vector.broadcast %get3A_79 : f32 to vector<256x128xf32>
    %select_n3A_81 = arith.select %eq3A_58, %broadcast_in_dim3A_80, %broadcast_in_dim3A_54 : vector<256x128xi1>, vector<256x128xf32>
    %get3A_82 = arith.constant 4 : index
    %get3A_83 = arith.constant 0 : index
    %get3A_84 = vector.load %arg10[%get3A_82, %get3A_83] : memref<8x16xf32, #tpu.memory_space<vmem>>, vector<1x1xf32>
    %get3A_85 = vector.extract %get3A_84[0, 0] : f32 from vector<1x1xf32>
    %broadcast_in_dim3A_86 = vector.broadcast %get3A_85 : f32 to vector<256x128xf32>
    %select_n3A_87 = arith.select %eq3A_58, %broadcast_in_dim3A_86, %broadcast_in_dim3A_56 : vector<256x128xi1>, vector<256x128xf32>
    %eq3A_88 = arith.constant 1 : i32
    %eq3A_89 = vector.broadcast %eq3A_88 : i32 to vector<256x128xi32>
    %eq3A_90 = arith.cmpi eq, %get3A_44, %eq3A_89 : vector<256x128xi32>
    %get3A_91 = arith.constant 0 : index
    %get3A_92 = arith.constant 1 : index
    %get3A_93 = vector.load %arg10[%get3A_91, %get3A_92] : memref<8x16xf32, #tpu.memory_space<vmem>>, vector<1x1xf32>
    %get3A_94 = vector.extract %get3A_93[0, 0] : f32 from vector<1x1xf32>
    %broadcast_in_dim3A_95 = vector.broadcast %get3A_94 : f32 to vector<256x128xf32>
    %select_n3A_96 = arith.select %eq3A_90, %broadcast_in_dim3A_95, %select_n3A : vector<256x128xi1>, vector<256x128xf32>
    %get3A_97 = arith.constant 1 : index
    %get3A_98 = arith.constant 1 : index
    %get3A_99 = vector.load %arg10[%get3A_97, %get3A_98] : memref<8x16xf32, #tpu.memory_space<vmem>>, vector<1x1xf32>
    %get3A_100 = vector.extract %get3A_99[0, 0] : f32 from vector<1x1xf32>
    %broadcast_in_dim3A_101 = vector.broadcast %get3A_100 : f32 to vector<256x128xf32>
    %select_n3A_102 = arith.select %eq3A_90, %broadcast_in_dim3A_101, %select_n3A_69 : vector<256x128xi1>, vector<256x128xf32>
    %get3A_103 = arith.constant 2 : index
    %get3A_104 = arith.constant 1 : index
    %get3A_105 = vector.load %arg10[%get3A_103, %get3A_104] : memref<8x16xf32, #tpu.memory_space<vmem>>, vector<1x1xf32>
    %get3A_106 = vector.extract %get3A_105[0, 0] : f32 from vector<1x1xf32>
    %broadcast_in_dim3A_107 = vector.broadcast %get3A_106 : f32 to vector<256x128xf32>
    %select_n3A_108 = arith.select %eq3A_90, %broadcast_in_dim3A_107, %select_n3A_75 : vector<256x128xi1>, vector<256x128xf32>
    %get3A_109 = arith.constant 3 : index
    %get3A_110 = arith.constant 1 : index
    %get3A_111 = vector.load %arg10[%get3A_109, %get3A_110] : memref<8x16xf32, #tpu.memory_space<vmem>>, vector<1x1xf32>
    %get3A_112 = vector.extract %get3A_111[0, 0] : f32 from vector<1x1xf32>
    %broadcast_in_dim3A_113 = vector.broadcast %get3A_112 : f32 to vector<256x128xf32>
    %select_n3A_114 = arith.select %eq3A_90, %broadcast_in_dim3A_113, %select_n3A_81 : vector<256x128xi1>, vector<256x128xf32>
    %get3A_115 = arith.constant 4 : index
    %get3A_116 = arith.constant 1 : index
    %get3A_117 = vector.load %arg10[%get3A_115, %get3A_116] : memref<8x16xf32, #tpu.memory_space<vmem>>, vector<1x1xf32>
    %get3A_118 = vector.extract %get3A_117[0, 0] : f32 from vector<1x1xf32>
    %broadcast_in_dim3A_119 = vector.broadcast %get3A_118 : f32 to vector<256x128xf32>
    %select_n3A_120 = arith.select %eq3A_90, %broadcast_in_dim3A_119, %select_n3A_87 : vector<256x128xi1>, vector<256x128xf32>
    %eq3A_121 = arith.constant 2 : i32
    %eq3A_122 = vector.broadcast %eq3A_121 : i32 to vector<256x128xi32>
    %eq3A_123 = arith.cmpi eq, %get3A_44, %eq3A_122 : vector<256x128xi32>
    %get3A_124 = arith.constant 0 : index
    %get3A_125 = arith.constant 2 : index
    %get3A_126 = vector.load %arg10[%get3A_124, %get3A_125] : memref<8x16xf32, #tpu.memory_space<vmem>>, vector<1x1xf32>
    %get3A_127 = vector.extract %get3A_126[0, 0] : f32 from vector<1x1xf32>
    %broadcast_in_dim3A_128 = vector.broadcast %get3A_127 : f32 to vector<256x128xf32>
    %select_n3A_129 = arith.select %eq3A_123, %broadcast_in_dim3A_128, %select_n3A_96 : vector<256x128xi1>, vector<256x128xf32>
    %get3A_130 = arith.constant 1 : index
    %get3A_131 = arith.constant 2 : index
    %get3A_132 = vector.load %arg10[%get3A_130, %get3A_131] : memref<8x16xf32, #tpu.memory_space<vmem>>, vector<1x1xf32>
    %get3A_133 = vector.extract %get3A_132[0, 0] : f32 from vector<1x1xf32>
    %broadcast_in_dim3A_134 = vector.broadcast %get3A_133 : f32 to vector<256x128xf32>
    %select_n3A_135 = arith.select %eq3A_123, %broadcast_in_dim3A_134, %select_n3A_102 : vector<256x128xi1>, vector<256x128xf32>
    %get3A_136 = arith.constant 2 : index
    %get3A_137 = arith.constant 2 : index
    %get3A_138 = vector.load %arg10[%get3A_136, %get3A_137] : memref<8x16xf32, #tpu.memory_space<vmem>>, vector<1x1xf32>
    %get3A_139 = vector.extract %get3A_138[0, 0] : f32 from vector<1x1xf32>
    %broadcast_in_dim3A_140 = vector.broadcast %get3A_139 : f32 to vector<256x128xf32>
    %select_n3A_141 = arith.select %eq3A_123, %broadcast_in_dim3A_140, %select_n3A_108 : vector<256x128xi1>, vector<256x128xf32>
    %get3A_142 = arith.constant 3 : index
    %get3A_143 = arith.constant 2 : index
    %get3A_144 = vector.load %arg10[%get3A_142, %get3A_143] : memref<8x16xf32, #tpu.memory_space<vmem>>, vector<1x1xf32>
    %get3A_145 = vector.extract %get3A_144[0, 0] : f32 from vector<1x1xf32>
    %broadcast_in_dim3A_146 = vector.broadcast %get3A_145 : f32 to vector<256x128xf32>
    %select_n3A_147 = arith.select %eq3A_123, %broadcast_in_dim3A_146, %select_n3A_114 : vector<256x128xi1>, vector<256x128xf32>
    %get3A_148 = arith.constant 4 : index
    %get3A_149 = arith.constant 2 : index
    %get3A_150 = vector.load %arg10[%get3A_148, %get3A_149] : memref<8x16xf32, #tpu.memory_space<vmem>>, vector<1x1xf32>
    %get3A_151 = vector.extract %get3A_150[0, 0] : f32 from vector<1x1xf32>
    %broadcast_in_dim3A_152 = vector.broadcast %get3A_151 : f32 to vector<256x128xf32>
    %select_n3A_153 = arith.select %eq3A_123, %broadcast_in_dim3A_152, %select_n3A_120 : vector<256x128xi1>, vector<256x128xf32>
    %eq3A_154 = arith.constant 3 : i32
    %eq3A_155 = vector.broadcast %eq3A_154 : i32 to vector<256x128xi32>
    %eq3A_156 = arith.cmpi eq, %get3A_44, %eq3A_155 : vector<256x128xi32>
    %get3A_157 = arith.constant 0 : index
    %get3A_158 = arith.constant 3 : index
    %get3A_159 = vector.load %arg10[%get3A_157, %get3A_158] : memref<8x16xf32, #tpu.memory_space<vmem>>, vector<1x1xf32>
    %get3A_160 = vector.extract %get3A_159[0, 0] : f32 from vector<1x1xf32>
    %broadcast_in_dim3A_161 = vector.broadcast %get3A_160 : f32 to vector<256x128xf32>
    %select_n3A_162 = arith.select %eq3A_156, %broadcast_in_dim3A_161, %select_n3A_129 : vector<256x128xi1>, vector<256x128xf32>
    %get3A_163 = arith.constant 1 : index
    %get3A_164 = arith.constant 3 : index
    %get3A_165 = vector.load %arg10[%get3A_163, %get3A_164] : memref<8x16xf32, #tpu.memory_space<vmem>>, vector<1x1xf32>
    %get3A_166 = vector.extract %get3A_165[0, 0] : f32 from vector<1x1xf32>
    %broadcast_in_dim3A_167 = vector.broadcast %get3A_166 : f32 to vector<256x128xf32>
    %select_n3A_168 = arith.select %eq3A_156, %broadcast_in_dim3A_167, %select_n3A_135 : vector<256x128xi1>, vector<256x128xf32>
    %get3A_169 = arith.constant 2 : index
    %get3A_170 = arith.constant 3 : index
    %get3A_171 = vector.load %arg10[%get3A_169, %get3A_170] : memref<8x16xf32, #tpu.memory_space<vmem>>, vector<1x1xf32>
    %get3A_172 = vector.extract %get3A_171[0, 0] : f32 from vector<1x1xf32>
    %broadcast_in_dim3A_173 = vector.broadcast %get3A_172 : f32 to vector<256x128xf32>
    %select_n3A_174 = arith.select %eq3A_156, %broadcast_in_dim3A_173, %select_n3A_141 : vector<256x128xi1>, vector<256x128xf32>
    %get3A_175 = arith.constant 3 : index
    %get3A_176 = arith.constant 3 : index
    %get3A_177 = vector.load %arg10[%get3A_175, %get3A_176] : memref<8x16xf32, #tpu.memory_space<vmem>>, vector<1x1xf32>
    %get3A_178 = vector.extract %get3A_177[0, 0] : f32 from vector<1x1xf32>
    %broadcast_in_dim3A_179 = vector.broadcast %get3A_178 : f32 to vector<256x128xf32>
    %select_n3A_180 = arith.select %eq3A_156, %broadcast_in_dim3A_179, %select_n3A_147 : vector<256x128xi1>, vector<256x128xf32>
    %get3A_181 = arith.constant 4 : index
    %get3A_182 = arith.constant 3 : index
    %get3A_183 = vector.load %arg10[%get3A_181, %get3A_182] : memref<8x16xf32, #tpu.memory_space<vmem>>, vector<1x1xf32>
    %get3A_184 = vector.extract %get3A_183[0, 0] : f32 from vector<1x1xf32>
    %broadcast_in_dim3A_185 = vector.broadcast %get3A_184 : f32 to vector<256x128xf32>
    %select_n3A_186 = arith.select %eq3A_156, %broadcast_in_dim3A_185, %select_n3A_153 : vector<256x128xi1>, vector<256x128xf32>
    %eq3A_187 = arith.constant 4 : i32
    %eq3A_188 = vector.broadcast %eq3A_187 : i32 to vector<256x128xi32>
    %eq3A_189 = arith.cmpi eq, %get3A_44, %eq3A_188 : vector<256x128xi32>
    %get3A_190 = arith.constant 0 : index
    %get3A_191 = arith.constant 4 : index
    %get3A_192 = vector.load %arg10[%get3A_190, %get3A_191] : memref<8x16xf32, #tpu.memory_space<vmem>>, vector<1x1xf32>
    %get3A_193 = vector.extract %get3A_192[0, 0] : f32 from vector<1x1xf32>
    %broadcast_in_dim3A_194 = vector.broadcast %get3A_193 : f32 to vector<256x128xf32>
    %select_n3A_195 = arith.select %eq3A_189, %broadcast_in_dim3A_194, %select_n3A_162 : vector<256x128xi1>, vector<256x128xf32>
    %get3A_196 = arith.constant 1 : index
    %get3A_197 = arith.constant 4 : index
    %get3A_198 = vector.load %arg10[%get3A_196, %get3A_197] : memref<8x16xf32, #tpu.memory_space<vmem>>, vector<1x1xf32>
    %get3A_199 = vector.extract %get3A_198[0, 0] : f32 from vector<1x1xf32>
    %broadcast_in_dim3A_200 = vector.broadcast %get3A_199 : f32 to vector<256x128xf32>
    %select_n3A_201 = arith.select %eq3A_189, %broadcast_in_dim3A_200, %select_n3A_168 : vector<256x128xi1>, vector<256x128xf32>
    %get3A_202 = arith.constant 2 : index
    %get3A_203 = arith.constant 4 : index
    %get3A_204 = vector.load %arg10[%get3A_202, %get3A_203] : memref<8x16xf32, #tpu.memory_space<vmem>>, vector<1x1xf32>
    %get3A_205 = vector.extract %get3A_204[0, 0] : f32 from vector<1x1xf32>
    %broadcast_in_dim3A_206 = vector.broadcast %get3A_205 : f32 to vector<256x128xf32>
    %select_n3A_207 = arith.select %eq3A_189, %broadcast_in_dim3A_206, %select_n3A_174 : vector<256x128xi1>, vector<256x128xf32>
    %get3A_208 = arith.constant 3 : index
    %get3A_209 = arith.constant 4 : index
    %get3A_210 = vector.load %arg10[%get3A_208, %get3A_209] : memref<8x16xf32, #tpu.memory_space<vmem>>, vector<1x1xf32>
    %get3A_211 = vector.extract %get3A_210[0, 0] : f32 from vector<1x1xf32>
    %broadcast_in_dim3A_212 = vector.broadcast %get3A_211 : f32 to vector<256x128xf32>
    %select_n3A_213 = arith.select %eq3A_189, %broadcast_in_dim3A_212, %select_n3A_180 : vector<256x128xi1>, vector<256x128xf32>
    %get3A_214 = arith.constant 4 : index
    %get3A_215 = arith.constant 4 : index
    %get3A_216 = vector.load %arg10[%get3A_214, %get3A_215] : memref<8x16xf32, #tpu.memory_space<vmem>>, vector<1x1xf32>
    %get3A_217 = vector.extract %get3A_216[0, 0] : f32 from vector<1x1xf32>
    %broadcast_in_dim3A_218 = vector.broadcast %get3A_217 : f32 to vector<256x128xf32>
    %select_n3A_219 = arith.select %eq3A_189, %broadcast_in_dim3A_218, %select_n3A_186 : vector<256x128xi1>, vector<256x128xf32>
    %eq3A_220 = arith.constant 5 : i32
    %eq3A_221 = vector.broadcast %eq3A_220 : i32 to vector<256x128xi32>
    %eq3A_222 = arith.cmpi eq, %get3A_44, %eq3A_221 : vector<256x128xi32>
    %get3A_223 = arith.constant 0 : index
    %get3A_224 = arith.constant 5 : index
    %get3A_225 = vector.load %arg10[%get3A_223, %get3A_224] : memref<8x16xf32, #tpu.memory_space<vmem>>, vector<1x1xf32>
    %get3A_226 = vector.extract %get3A_225[0, 0] : f32 from vector<1x1xf32>
    %broadcast_in_dim3A_227 = vector.broadcast %get3A_226 : f32 to vector<256x128xf32>
    %select_n3A_228 = arith.select %eq3A_222, %broadcast_in_dim3A_227, %select_n3A_195 : vector<256x128xi1>, vector<256x128xf32>
    %get3A_229 = arith.constant 1 : index
    %get3A_230 = arith.constant 5 : index
    %get3A_231 = vector.load %arg10[%get3A_229, %get3A_230] : memref<8x16xf32, #tpu.memory_space<vmem>>, vector<1x1xf32>
    %get3A_232 = vector.extract %get3A_231[0, 0] : f32 from vector<1x1xf32>
    %broadcast_in_dim3A_233 = vector.broadcast %get3A_232 : f32 to vector<256x128xf32>
    %select_n3A_234 = arith.select %eq3A_222, %broadcast_in_dim3A_233, %select_n3A_201 : vector<256x128xi1>, vector<256x128xf32>
    %get3A_235 = arith.constant 2 : index
    %get3A_236 = arith.constant 5 : index
    %get3A_237 = vector.load %arg10[%get3A_235, %get3A_236] : memref<8x16xf32, #tpu.memory_space<vmem>>, vector<1x1xf32>
    %get3A_238 = vector.extract %get3A_237[0, 0] : f32 from vector<1x1xf32>
    %broadcast_in_dim3A_239 = vector.broadcast %get3A_238 : f32 to vector<256x128xf32>
    %select_n3A_240 = arith.select %eq3A_222, %broadcast_in_dim3A_239, %select_n3A_207 : vector<256x128xi1>, vector<256x128xf32>
    %get3A_241 = arith.constant 3 : index
    %get3A_242 = arith.constant 5 : index
    %get3A_243 = vector.load %arg10[%get3A_241, %get3A_242] : memref<8x16xf32, #tpu.memory_space<vmem>>, vector<1x1xf32>
    %get3A_244 = vector.extract %get3A_243[0, 0] : f32 from vector<1x1xf32>
    %broadcast_in_dim3A_245 = vector.broadcast %get3A_244 : f32 to vector<256x128xf32>
    %select_n3A_246 = arith.select %eq3A_222, %broadcast_in_dim3A_245, %select_n3A_213 : vector<256x128xi1>, vector<256x128xf32>
    %get3A_247 = arith.constant 4 : index
    %get3A_248 = arith.constant 5 : index
    %get3A_249 = vector.load %arg10[%get3A_247, %get3A_248] : memref<8x16xf32, #tpu.memory_space<vmem>>, vector<1x1xf32>
    %get3A_250 = vector.extract %get3A_249[0, 0] : f32 from vector<1x1xf32>
    %broadcast_in_dim3A_251 = vector.broadcast %get3A_250 : f32 to vector<256x128xf32>
    %select_n3A_252 = arith.select %eq3A_222, %broadcast_in_dim3A_251, %select_n3A_219 : vector<256x128xi1>, vector<256x128xf32>
    %eq3A_253 = arith.constant 6 : i32
    %eq3A_254 = vector.broadcast %eq3A_253 : i32 to vector<256x128xi32>
    %eq3A_255 = arith.cmpi eq, %get3A_44, %eq3A_254 : vector<256x128xi32>
    %get3A_256 = arith.constant 0 : index
    %get3A_257 = arith.constant 6 : index
    %get3A_258 = vector.load %arg10[%get3A_256, %get3A_257] : memref<8x16xf32, #tpu.memory_space<vmem>>, vector<1x1xf32>
    %get3A_259 = vector.extract %get3A_258[0, 0] : f32 from vector<1x1xf32>
    %broadcast_in_dim3A_260 = vector.broadcast %get3A_259 : f32 to vector<256x128xf32>
    %select_n3A_261 = arith.select %eq3A_255, %broadcast_in_dim3A_260, %select_n3A_228 : vector<256x128xi1>, vector<256x128xf32>
    %get3A_262 = arith.constant 1 : index
    %get3A_263 = arith.constant 6 : index
    %get3A_264 = vector.load %arg10[%get3A_262, %get3A_263] : memref<8x16xf32, #tpu.memory_space<vmem>>, vector<1x1xf32>
    %get3A_265 = vector.extract %get3A_264[0, 0] : f32 from vector<1x1xf32>
    %broadcast_in_dim3A_266 = vector.broadcast %get3A_265 : f32 to vector<256x128xf32>
    %select_n3A_267 = arith.select %eq3A_255, %broadcast_in_dim3A_266, %select_n3A_234 : vector<256x128xi1>, vector<256x128xf32>
    %get3A_268 = arith.constant 2 : index
    %get3A_269 = arith.constant 6 : index
    %get3A_270 = vector.load %arg10[%get3A_268, %get3A_269] : memref<8x16xf32, #tpu.memory_space<vmem>>, vector<1x1xf32>
    %get3A_271 = vector.extract %get3A_270[0, 0] : f32 from vector<1x1xf32>
    %broadcast_in_dim3A_272 = vector.broadcast %get3A_271 : f32 to vector<256x128xf32>
    %select_n3A_273 = arith.select %eq3A_255, %broadcast_in_dim3A_272, %select_n3A_240 : vector<256x128xi1>, vector<256x128xf32>
    %get3A_274 = arith.constant 3 : index
    %get3A_275 = arith.constant 6 : index
    %get3A_276 = vector.load %arg10[%get3A_274, %get3A_275] : memref<8x16xf32, #tpu.memory_space<vmem>>, vector<1x1xf32>
    %get3A_277 = vector.extract %get3A_276[0, 0] : f32 from vector<1x1xf32>
    %broadcast_in_dim3A_278 = vector.broadcast %get3A_277 : f32 to vector<256x128xf32>
    %select_n3A_279 = arith.select %eq3A_255, %broadcast_in_dim3A_278, %select_n3A_246 : vector<256x128xi1>, vector<256x128xf32>
    %get3A_280 = arith.constant 4 : index
    %get3A_281 = arith.constant 6 : index
    %get3A_282 = vector.load %arg10[%get3A_280, %get3A_281] : memref<8x16xf32, #tpu.memory_space<vmem>>, vector<1x1xf32>
    %get3A_283 = vector.extract %get3A_282[0, 0] : f32 from vector<1x1xf32>
    %broadcast_in_dim3A_284 = vector.broadcast %get3A_283 : f32 to vector<256x128xf32>
    %select_n3A_285 = arith.select %eq3A_255, %broadcast_in_dim3A_284, %select_n3A_252 : vector<256x128xi1>, vector<256x128xf32>
    %eq3A_286 = arith.constant 7 : i32
    %eq3A_287 = vector.broadcast %eq3A_286 : i32 to vector<256x128xi32>
    %eq3A_288 = arith.cmpi eq, %get3A_44, %eq3A_287 : vector<256x128xi32>
    %get3A_289 = arith.constant 0 : index
    %get3A_290 = arith.constant 7 : index
    %get3A_291 = vector.load %arg10[%get3A_289, %get3A_290] : memref<8x16xf32, #tpu.memory_space<vmem>>, vector<1x1xf32>
    %get3A_292 = vector.extract %get3A_291[0, 0] : f32 from vector<1x1xf32>
    %broadcast_in_dim3A_293 = vector.broadcast %get3A_292 : f32 to vector<256x128xf32>
    %select_n3A_294 = arith.select %eq3A_288, %broadcast_in_dim3A_293, %select_n3A_261 : vector<256x128xi1>, vector<256x128xf32>
    %get3A_295 = arith.constant 1 : index
    %get3A_296 = arith.constant 7 : index
    %get3A_297 = vector.load %arg10[%get3A_295, %get3A_296] : memref<8x16xf32, #tpu.memory_space<vmem>>, vector<1x1xf32>
    %get3A_298 = vector.extract %get3A_297[0, 0] : f32 from vector<1x1xf32>
    %broadcast_in_dim3A_299 = vector.broadcast %get3A_298 : f32 to vector<256x128xf32>
    %select_n3A_300 = arith.select %eq3A_288, %broadcast_in_dim3A_299, %select_n3A_267 : vector<256x128xi1>, vector<256x128xf32>
    %get3A_301 = arith.constant 2 : index
    %get3A_302 = arith.constant 7 : index
    %get3A_303 = vector.load %arg10[%get3A_301, %get3A_302] : memref<8x16xf32, #tpu.memory_space<vmem>>, vector<1x1xf32>
    %get3A_304 = vector.extract %get3A_303[0, 0] : f32 from vector<1x1xf32>
    %broadcast_in_dim3A_305 = vector.broadcast %get3A_304 : f32 to vector<256x128xf32>
    %select_n3A_306 = arith.select %eq3A_288, %broadcast_in_dim3A_305, %select_n3A_273 : vector<256x128xi1>, vector<256x128xf32>
    %get3A_307 = arith.constant 3 : index
    %get3A_308 = arith.constant 7 : index
    %get3A_309 = vector.load %arg10[%get3A_307, %get3A_308] : memref<8x16xf32, #tpu.memory_space<vmem>>, vector<1x1xf32>
    %get3A_310 = vector.extract %get3A_309[0, 0] : f32 from vector<1x1xf32>
    %broadcast_in_dim3A_311 = vector.broadcast %get3A_310 : f32 to vector<256x128xf32>
    %select_n3A_312 = arith.select %eq3A_288, %broadcast_in_dim3A_311, %select_n3A_279 : vector<256x128xi1>, vector<256x128xf32>
    %get3A_313 = arith.constant 4 : index
    %get3A_314 = arith.constant 7 : index
    %get3A_315 = vector.load %arg10[%get3A_313, %get3A_314] : memref<8x16xf32, #tpu.memory_space<vmem>>, vector<1x1xf32>
    %get3A_316 = vector.extract %get3A_315[0, 0] : f32 from vector<1x1xf32>
    %broadcast_in_dim3A_317 = vector.broadcast %get3A_316 : f32 to vector<256x128xf32>
    %select_n3A_318 = arith.select %eq3A_288, %broadcast_in_dim3A_317, %select_n3A_285 : vector<256x128xi1>, vector<256x128xf32>
    %eq3A_319 = arith.constant 8 : i32
    %eq3A_320 = vector.broadcast %eq3A_319 : i32 to vector<256x128xi32>
    %eq3A_321 = arith.cmpi eq, %get3A_44, %eq3A_320 : vector<256x128xi32>
    %get3A_322 = arith.constant 0 : index
    %get3A_323 = arith.constant 8 : index
    %get3A_324 = vector.load %arg10[%get3A_322, %get3A_323] : memref<8x16xf32, #tpu.memory_space<vmem>>, vector<1x1xf32>
    %get3A_325 = vector.extract %get3A_324[0, 0] : f32 from vector<1x1xf32>
    %broadcast_in_dim3A_326 = vector.broadcast %get3A_325 : f32 to vector<256x128xf32>
    %select_n3A_327 = arith.select %eq3A_321, %broadcast_in_dim3A_326, %select_n3A_294 : vector<256x128xi1>, vector<256x128xf32>
    %get3A_328 = arith.constant 1 : index
    %get3A_329 = arith.constant 8 : index
    %get3A_330 = vector.load %arg10[%get3A_328, %get3A_329] : memref<8x16xf32, #tpu.memory_space<vmem>>, vector<1x1xf32>
    %get3A_331 = vector.extract %get3A_330[0, 0] : f32 from vector<1x1xf32>
    %broadcast_in_dim3A_332 = vector.broadcast %get3A_331 : f32 to vector<256x128xf32>
    %select_n3A_333 = arith.select %eq3A_321, %broadcast_in_dim3A_332, %select_n3A_300 : vector<256x128xi1>, vector<256x128xf32>
    %get3A_334 = arith.constant 2 : index
    %get3A_335 = arith.constant 8 : index
    %get3A_336 = vector.load %arg10[%get3A_334, %get3A_335] : memref<8x16xf32, #tpu.memory_space<vmem>>, vector<1x1xf32>
    %get3A_337 = vector.extract %get3A_336[0, 0] : f32 from vector<1x1xf32>
    %broadcast_in_dim3A_338 = vector.broadcast %get3A_337 : f32 to vector<256x128xf32>
    %select_n3A_339 = arith.select %eq3A_321, %broadcast_in_dim3A_338, %select_n3A_306 : vector<256x128xi1>, vector<256x128xf32>
    %get3A_340 = arith.constant 3 : index
    %get3A_341 = arith.constant 8 : index
    %get3A_342 = vector.load %arg10[%get3A_340, %get3A_341] : memref<8x16xf32, #tpu.memory_space<vmem>>, vector<1x1xf32>
    %get3A_343 = vector.extract %get3A_342[0, 0] : f32 from vector<1x1xf32>
    %broadcast_in_dim3A_344 = vector.broadcast %get3A_343 : f32 to vector<256x128xf32>
    %select_n3A_345 = arith.select %eq3A_321, %broadcast_in_dim3A_344, %select_n3A_312 : vector<256x128xi1>, vector<256x128xf32>
    %get3A_346 = arith.constant 4 : index
    %get3A_347 = arith.constant 8 : index
    %get3A_348 = vector.load %arg10[%get3A_346, %get3A_347] : memref<8x16xf32, #tpu.memory_space<vmem>>, vector<1x1xf32>
    %get3A_349 = vector.extract %get3A_348[0, 0] : f32 from vector<1x1xf32>
    %broadcast_in_dim3A_350 = vector.broadcast %get3A_349 : f32 to vector<256x128xf32>
    %select_n3A_351 = arith.select %eq3A_321, %broadcast_in_dim3A_350, %select_n3A_318 : vector<256x128xi1>, vector<256x128xf32>
    %eq3A_352 = arith.constant 9 : i32
    %eq3A_353 = vector.broadcast %eq3A_352 : i32 to vector<256x128xi32>
    %eq3A_354 = arith.cmpi eq, %get3A_44, %eq3A_353 : vector<256x128xi32>
    %get3A_355 = arith.constant 0 : index
    %get3A_356 = arith.constant 9 : index
    %get3A_357 = vector.load %arg10[%get3A_355, %get3A_356] : memref<8x16xf32, #tpu.memory_space<vmem>>, vector<1x1xf32>
    %get3A_358 = vector.extract %get3A_357[0, 0] : f32 from vector<1x1xf32>
    %broadcast_in_dim3A_359 = vector.broadcast %get3A_358 : f32 to vector<256x128xf32>
    %select_n3A_360 = arith.select %eq3A_354, %broadcast_in_dim3A_359, %select_n3A_327 : vector<256x128xi1>, vector<256x128xf32>
    %get3A_361 = arith.constant 1 : index
    %get3A_362 = arith.constant 9 : index
    %get3A_363 = vector.load %arg10[%get3A_361, %get3A_362] : memref<8x16xf32, #tpu.memory_space<vmem>>, vector<1x1xf32>
    %get3A_364 = vector.extract %get3A_363[0, 0] : f32 from vector<1x1xf32>
    %broadcast_in_dim3A_365 = vector.broadcast %get3A_364 : f32 to vector<256x128xf32>
    %select_n3A_366 = arith.select %eq3A_354, %broadcast_in_dim3A_365, %select_n3A_333 : vector<256x128xi1>, vector<256x128xf32>
    %get3A_367 = arith.constant 2 : index
    %get3A_368 = arith.constant 9 : index
    %get3A_369 = vector.load %arg10[%get3A_367, %get3A_368] : memref<8x16xf32, #tpu.memory_space<vmem>>, vector<1x1xf32>
    %get3A_370 = vector.extract %get3A_369[0, 0] : f32 from vector<1x1xf32>
    %broadcast_in_dim3A_371 = vector.broadcast %get3A_370 : f32 to vector<256x128xf32>
    %select_n3A_372 = arith.select %eq3A_354, %broadcast_in_dim3A_371, %select_n3A_339 : vector<256x128xi1>, vector<256x128xf32>
    %get3A_373 = arith.constant 3 : index
    %get3A_374 = arith.constant 9 : index
    %get3A_375 = vector.load %arg10[%get3A_373, %get3A_374] : memref<8x16xf32, #tpu.memory_space<vmem>>, vector<1x1xf32>
    %get3A_376 = vector.extract %get3A_375[0, 0] : f32 from vector<1x1xf32>
    %broadcast_in_dim3A_377 = vector.broadcast %get3A_376 : f32 to vector<256x128xf32>
    %select_n3A_378 = arith.select %eq3A_354, %broadcast_in_dim3A_377, %select_n3A_345 : vector<256x128xi1>, vector<256x128xf32>
    %get3A_379 = arith.constant 4 : index
    %get3A_380 = arith.constant 9 : index
    %get3A_381 = vector.load %arg10[%get3A_379, %get3A_380] : memref<8x16xf32, #tpu.memory_space<vmem>>, vector<1x1xf32>
    %get3A_382 = vector.extract %get3A_381[0, 0] : f32 from vector<1x1xf32>
    %broadcast_in_dim3A_383 = vector.broadcast %get3A_382 : f32 to vector<256x128xf32>
    %select_n3A_384 = arith.select %eq3A_354, %broadcast_in_dim3A_383, %select_n3A_351 : vector<256x128xi1>, vector<256x128xf32>
    %eq3A_385 = arith.constant 10 : i32
    %eq3A_386 = vector.broadcast %eq3A_385 : i32 to vector<256x128xi32>
    %eq3A_387 = arith.cmpi eq, %get3A_44, %eq3A_386 : vector<256x128xi32>
    %get3A_388 = arith.constant 0 : index
    %get3A_389 = arith.constant 10 : index
    %get3A_390 = vector.load %arg10[%get3A_388, %get3A_389] : memref<8x16xf32, #tpu.memory_space<vmem>>, vector<1x1xf32>
    %get3A_391 = vector.extract %get3A_390[0, 0] : f32 from vector<1x1xf32>
    %broadcast_in_dim3A_392 = vector.broadcast %get3A_391 : f32 to vector<256x128xf32>
    %select_n3A_393 = arith.select %eq3A_387, %broadcast_in_dim3A_392, %select_n3A_360 : vector<256x128xi1>, vector<256x128xf32>
    %get3A_394 = arith.constant 1 : index
    %get3A_395 = arith.constant 10 : index
    %get3A_396 = vector.load %arg10[%get3A_394, %get3A_395] : memref<8x16xf32, #tpu.memory_space<vmem>>, vector<1x1xf32>
    %get3A_397 = vector.extract %get3A_396[0, 0] : f32 from vector<1x1xf32>
    %broadcast_in_dim3A_398 = vector.broadcast %get3A_397 : f32 to vector<256x128xf32>
    %select_n3A_399 = arith.select %eq3A_387, %broadcast_in_dim3A_398, %select_n3A_366 : vector<256x128xi1>, vector<256x128xf32>
    %get3A_400 = arith.constant 2 : index
    %get3A_401 = arith.constant 10 : index
    %get3A_402 = vector.load %arg10[%get3A_400, %get3A_401] : memref<8x16xf32, #tpu.memory_space<vmem>>, vector<1x1xf32>
    %get3A_403 = vector.extract %get3A_402[0, 0] : f32 from vector<1x1xf32>
    %broadcast_in_dim3A_404 = vector.broadcast %get3A_403 : f32 to vector<256x128xf32>
    %select_n3A_405 = arith.select %eq3A_387, %broadcast_in_dim3A_404, %select_n3A_372 : vector<256x128xi1>, vector<256x128xf32>
    %get3A_406 = arith.constant 3 : index
    %get3A_407 = arith.constant 10 : index
    %get3A_408 = vector.load %arg10[%get3A_406, %get3A_407] : memref<8x16xf32, #tpu.memory_space<vmem>>, vector<1x1xf32>
    %get3A_409 = vector.extract %get3A_408[0, 0] : f32 from vector<1x1xf32>
    %broadcast_in_dim3A_410 = vector.broadcast %get3A_409 : f32 to vector<256x128xf32>
    %select_n3A_411 = arith.select %eq3A_387, %broadcast_in_dim3A_410, %select_n3A_378 : vector<256x128xi1>, vector<256x128xf32>
    %get3A_412 = arith.constant 4 : index
    %get3A_413 = arith.constant 10 : index
    %get3A_414 = vector.load %arg10[%get3A_412, %get3A_413] : memref<8x16xf32, #tpu.memory_space<vmem>>, vector<1x1xf32>
    %get3A_415 = vector.extract %get3A_414[0, 0] : f32 from vector<1x1xf32>
    %broadcast_in_dim3A_416 = vector.broadcast %get3A_415 : f32 to vector<256x128xf32>
    %select_n3A_417 = arith.select %eq3A_387, %broadcast_in_dim3A_416, %select_n3A_384 : vector<256x128xi1>, vector<256x128xf32>
    %eq3A_418 = arith.constant 11 : i32
    %eq3A_419 = vector.broadcast %eq3A_418 : i32 to vector<256x128xi32>
    %eq3A_420 = arith.cmpi eq, %get3A_44, %eq3A_419 : vector<256x128xi32>
    %get3A_421 = arith.constant 0 : index
    %get3A_422 = arith.constant 11 : index
    %get3A_423 = vector.load %arg10[%get3A_421, %get3A_422] : memref<8x16xf32, #tpu.memory_space<vmem>>, vector<1x1xf32>
    %get3A_424 = vector.extract %get3A_423[0, 0] : f32 from vector<1x1xf32>
    %broadcast_in_dim3A_425 = vector.broadcast %get3A_424 : f32 to vector<256x128xf32>
    %select_n3A_426 = arith.select %eq3A_420, %broadcast_in_dim3A_425, %select_n3A_393 : vector<256x128xi1>, vector<256x128xf32>
    %get3A_427 = arith.constant 1 : index
    %get3A_428 = arith.constant 11 : index
    %get3A_429 = vector.load %arg10[%get3A_427, %get3A_428] : memref<8x16xf32, #tpu.memory_space<vmem>>, vector<1x1xf32>
    %get3A_430 = vector.extract %get3A_429[0, 0] : f32 from vector<1x1xf32>
    %broadcast_in_dim3A_431 = vector.broadcast %get3A_430 : f32 to vector<256x128xf32>
    %select_n3A_432 = arith.select %eq3A_420, %broadcast_in_dim3A_431, %select_n3A_399 : vector<256x128xi1>, vector<256x128xf32>
    %get3A_433 = arith.constant 2 : index
    %get3A_434 = arith.constant 11 : index
    %get3A_435 = vector.load %arg10[%get3A_433, %get3A_434] : memref<8x16xf32, #tpu.memory_space<vmem>>, vector<1x1xf32>
    %get3A_436 = vector.extract %get3A_435[0, 0] : f32 from vector<1x1xf32>
    %broadcast_in_dim3A_437 = vector.broadcast %get3A_436 : f32 to vector<256x128xf32>
    %select_n3A_438 = arith.select %eq3A_420, %broadcast_in_dim3A_437, %select_n3A_405 : vector<256x128xi1>, vector<256x128xf32>
    %get3A_439 = arith.constant 3 : index
    %get3A_440 = arith.constant 11 : index
    %get3A_441 = vector.load %arg10[%get3A_439, %get3A_440] : memref<8x16xf32, #tpu.memory_space<vmem>>, vector<1x1xf32>
    %get3A_442 = vector.extract %get3A_441[0, 0] : f32 from vector<1x1xf32>
    %broadcast_in_dim3A_443 = vector.broadcast %get3A_442 : f32 to vector<256x128xf32>
    %select_n3A_444 = arith.select %eq3A_420, %broadcast_in_dim3A_443, %select_n3A_411 : vector<256x128xi1>, vector<256x128xf32>
    %get3A_445 = arith.constant 4 : index
    %get3A_446 = arith.constant 11 : index
    %get3A_447 = vector.load %arg10[%get3A_445, %get3A_446] : memref<8x16xf32, #tpu.memory_space<vmem>>, vector<1x1xf32>
    %get3A_448 = vector.extract %get3A_447[0, 0] : f32 from vector<1x1xf32>
    %broadcast_in_dim3A_449 = vector.broadcast %get3A_448 : f32 to vector<256x128xf32>
    %select_n3A_450 = arith.select %eq3A_420, %broadcast_in_dim3A_449, %select_n3A_417 : vector<256x128xi1>, vector<256x128xf32>
    %eq3A_451 = arith.constant 12 : i32
    %eq3A_452 = vector.broadcast %eq3A_451 : i32 to vector<256x128xi32>
    %eq3A_453 = arith.cmpi eq, %get3A_44, %eq3A_452 : vector<256x128xi32>
    %get3A_454 = arith.constant 0 : index
    %get3A_455 = arith.constant 12 : index
    %get3A_456 = vector.load %arg10[%get3A_454, %get3A_455] : memref<8x16xf32, #tpu.memory_space<vmem>>, vector<1x1xf32>
    %get3A_457 = vector.extract %get3A_456[0, 0] : f32 from vector<1x1xf32>
    %broadcast_in_dim3A_458 = vector.broadcast %get3A_457 : f32 to vector<256x128xf32>
    %select_n3A_459 = arith.select %eq3A_453, %broadcast_in_dim3A_458, %select_n3A_426 : vector<256x128xi1>, vector<256x128xf32>
    %get3A_460 = arith.constant 1 : index
    %get3A_461 = arith.constant 12 : index
    %get3A_462 = vector.load %arg10[%get3A_460, %get3A_461] : memref<8x16xf32, #tpu.memory_space<vmem>>, vector<1x1xf32>
    %get3A_463 = vector.extract %get3A_462[0, 0] : f32 from vector<1x1xf32>
    %broadcast_in_dim3A_464 = vector.broadcast %get3A_463 : f32 to vector<256x128xf32>
    %select_n3A_465 = arith.select %eq3A_453, %broadcast_in_dim3A_464, %select_n3A_432 : vector<256x128xi1>, vector<256x128xf32>
    %get3A_466 = arith.constant 2 : index
    %get3A_467 = arith.constant 12 : index
    %get3A_468 = vector.load %arg10[%get3A_466, %get3A_467] : memref<8x16xf32, #tpu.memory_space<vmem>>, vector<1x1xf32>
    %get3A_469 = vector.extract %get3A_468[0, 0] : f32 from vector<1x1xf32>
    %broadcast_in_dim3A_470 = vector.broadcast %get3A_469 : f32 to vector<256x128xf32>
    %select_n3A_471 = arith.select %eq3A_453, %broadcast_in_dim3A_470, %select_n3A_438 : vector<256x128xi1>, vector<256x128xf32>
    %get3A_472 = arith.constant 3 : index
    %get3A_473 = arith.constant 12 : index
    %get3A_474 = vector.load %arg10[%get3A_472, %get3A_473] : memref<8x16xf32, #tpu.memory_space<vmem>>, vector<1x1xf32>
    %get3A_475 = vector.extract %get3A_474[0, 0] : f32 from vector<1x1xf32>
    %broadcast_in_dim3A_476 = vector.broadcast %get3A_475 : f32 to vector<256x128xf32>
    %select_n3A_477 = arith.select %eq3A_453, %broadcast_in_dim3A_476, %select_n3A_444 : vector<256x128xi1>, vector<256x128xf32>
    %get3A_478 = arith.constant 4 : index
    %get3A_479 = arith.constant 12 : index
    %get3A_480 = vector.load %arg10[%get3A_478, %get3A_479] : memref<8x16xf32, #tpu.memory_space<vmem>>, vector<1x1xf32>
    %get3A_481 = vector.extract %get3A_480[0, 0] : f32 from vector<1x1xf32>
    %broadcast_in_dim3A_482 = vector.broadcast %get3A_481 : f32 to vector<256x128xf32>
    %select_n3A_483 = arith.select %eq3A_453, %broadcast_in_dim3A_482, %select_n3A_450 : vector<256x128xi1>, vector<256x128xf32>
    %eq3A_484 = arith.constant 13 : i32
    %eq3A_485 = vector.broadcast %eq3A_484 : i32 to vector<256x128xi32>
    %eq3A_486 = arith.cmpi eq, %get3A_44, %eq3A_485 : vector<256x128xi32>
    %get3A_487 = arith.constant 0 : index
    %get3A_488 = arith.constant 13 : index
    %get3A_489 = vector.load %arg10[%get3A_487, %get3A_488] : memref<8x16xf32, #tpu.memory_space<vmem>>, vector<1x1xf32>
    %get3A_490 = vector.extract %get3A_489[0, 0] : f32 from vector<1x1xf32>
    %broadcast_in_dim3A_491 = vector.broadcast %get3A_490 : f32 to vector<256x128xf32>
    %select_n3A_492 = arith.select %eq3A_486, %broadcast_in_dim3A_491, %select_n3A_459 : vector<256x128xi1>, vector<256x128xf32>
    %get3A_493 = arith.constant 1 : index
    %get3A_494 = arith.constant 13 : index
    %get3A_495 = vector.load %arg10[%get3A_493, %get3A_494] : memref<8x16xf32, #tpu.memory_space<vmem>>, vector<1x1xf32>
    %get3A_496 = vector.extract %get3A_495[0, 0] : f32 from vector<1x1xf32>
    %broadcast_in_dim3A_497 = vector.broadcast %get3A_496 : f32 to vector<256x128xf32>
    %select_n3A_498 = arith.select %eq3A_486, %broadcast_in_dim3A_497, %select_n3A_465 : vector<256x128xi1>, vector<256x128xf32>
    %get3A_499 = arith.constant 2 : index
    %get3A_500 = arith.constant 13 : index
    %get3A_501 = vector.load %arg10[%get3A_499, %get3A_500] : memref<8x16xf32, #tpu.memory_space<vmem>>, vector<1x1xf32>
    %get3A_502 = vector.extract %get3A_501[0, 0] : f32 from vector<1x1xf32>
    %broadcast_in_dim3A_503 = vector.broadcast %get3A_502 : f32 to vector<256x128xf32>
    %select_n3A_504 = arith.select %eq3A_486, %broadcast_in_dim3A_503, %select_n3A_471 : vector<256x128xi1>, vector<256x128xf32>
    %get3A_505 = arith.constant 3 : index
    %get3A_506 = arith.constant 13 : index
    %get3A_507 = vector.load %arg10[%get3A_505, %get3A_506] : memref<8x16xf32, #tpu.memory_space<vmem>>, vector<1x1xf32>
    %get3A_508 = vector.extract %get3A_507[0, 0] : f32 from vector<1x1xf32>
    %broadcast_in_dim3A_509 = vector.broadcast %get3A_508 : f32 to vector<256x128xf32>
    %select_n3A_510 = arith.select %eq3A_486, %broadcast_in_dim3A_509, %select_n3A_477 : vector<256x128xi1>, vector<256x128xf32>
    %get3A_511 = arith.constant 4 : index
    %get3A_512 = arith.constant 13 : index
    %get3A_513 = vector.load %arg10[%get3A_511, %get3A_512] : memref<8x16xf32, #tpu.memory_space<vmem>>, vector<1x1xf32>
    %get3A_514 = vector.extract %get3A_513[0, 0] : f32 from vector<1x1xf32>
    %broadcast_in_dim3A_515 = vector.broadcast %get3A_514 : f32 to vector<256x128xf32>
    %select_n3A_516 = arith.select %eq3A_486, %broadcast_in_dim3A_515, %select_n3A_483 : vector<256x128xi1>, vector<256x128xf32>
    %eq3A_517 = arith.constant 14 : i32
    %eq3A_518 = vector.broadcast %eq3A_517 : i32 to vector<256x128xi32>
    %eq3A_519 = arith.cmpi eq, %get3A_44, %eq3A_518 : vector<256x128xi32>
    %get3A_520 = arith.constant 0 : index
    %get3A_521 = arith.constant 14 : index
    %get3A_522 = vector.load %arg10[%get3A_520, %get3A_521] : memref<8x16xf32, #tpu.memory_space<vmem>>, vector<1x1xf32>
    %get3A_523 = vector.extract %get3A_522[0, 0] : f32 from vector<1x1xf32>
    %broadcast_in_dim3A_524 = vector.broadcast %get3A_523 : f32 to vector<256x128xf32>
    %select_n3A_525 = arith.select %eq3A_519, %broadcast_in_dim3A_524, %select_n3A_492 : vector<256x128xi1>, vector<256x128xf32>
    %get3A_526 = arith.constant 1 : index
    %get3A_527 = arith.constant 14 : index
    %get3A_528 = vector.load %arg10[%get3A_526, %get3A_527] : memref<8x16xf32, #tpu.memory_space<vmem>>, vector<1x1xf32>
    %get3A_529 = vector.extract %get3A_528[0, 0] : f32 from vector<1x1xf32>
    %broadcast_in_dim3A_530 = vector.broadcast %get3A_529 : f32 to vector<256x128xf32>
    %select_n3A_531 = arith.select %eq3A_519, %broadcast_in_dim3A_530, %select_n3A_498 : vector<256x128xi1>, vector<256x128xf32>
    %get3A_532 = arith.constant 2 : index
    %get3A_533 = arith.constant 14 : index
    %get3A_534 = vector.load %arg10[%get3A_532, %get3A_533] : memref<8x16xf32, #tpu.memory_space<vmem>>, vector<1x1xf32>
    %get3A_535 = vector.extract %get3A_534[0, 0] : f32 from vector<1x1xf32>
    %broadcast_in_dim3A_536 = vector.broadcast %get3A_535 : f32 to vector<256x128xf32>
    %select_n3A_537 = arith.select %eq3A_519, %broadcast_in_dim3A_536, %select_n3A_504 : vector<256x128xi1>, vector<256x128xf32>
    %get3A_538 = arith.constant 3 : index
    %get3A_539 = arith.constant 14 : index
    %get3A_540 = vector.load %arg10[%get3A_538, %get3A_539] : memref<8x16xf32, #tpu.memory_space<vmem>>, vector<1x1xf32>
    %get3A_541 = vector.extract %get3A_540[0, 0] : f32 from vector<1x1xf32>
    %broadcast_in_dim3A_542 = vector.broadcast %get3A_541 : f32 to vector<256x128xf32>
    %select_n3A_543 = arith.select %eq3A_519, %broadcast_in_dim3A_542, %select_n3A_510 : vector<256x128xi1>, vector<256x128xf32>
    %get3A_544 = arith.constant 4 : index
    %get3A_545 = arith.constant 14 : index
    %get3A_546 = vector.load %arg10[%get3A_544, %get3A_545] : memref<8x16xf32, #tpu.memory_space<vmem>>, vector<1x1xf32>
    %get3A_547 = vector.extract %get3A_546[0, 0] : f32 from vector<1x1xf32>
    %broadcast_in_dim3A_548 = vector.broadcast %get3A_547 : f32 to vector<256x128xf32>
    %select_n3A_549 = arith.select %eq3A_519, %broadcast_in_dim3A_548, %select_n3A_516 : vector<256x128xi1>, vector<256x128xf32>
    %eq3A_550 = arith.constant 15 : i32
    %eq3A_551 = vector.broadcast %eq3A_550 : i32 to vector<256x128xi32>
    %eq3A_552 = arith.cmpi eq, %get3A_44, %eq3A_551 : vector<256x128xi32>
    %get3A_553 = arith.constant 0 : index
    %get3A_554 = arith.constant 15 : index
    %get3A_555 = vector.load %arg10[%get3A_553, %get3A_554] : memref<8x16xf32, #tpu.memory_space<vmem>>, vector<1x1xf32>
    %get3A_556 = vector.extract %get3A_555[0, 0] : f32 from vector<1x1xf32>
    %broadcast_in_dim3A_557 = vector.broadcast %get3A_556 : f32 to vector<256x128xf32>
    %select_n3A_558 = arith.select %eq3A_552, %broadcast_in_dim3A_557, %select_n3A_525 : vector<256x128xi1>, vector<256x128xf32>
    %get3A_559 = arith.constant 1 : index
    %get3A_560 = arith.constant 15 : index
    %get3A_561 = vector.load %arg10[%get3A_559, %get3A_560] : memref<8x16xf32, #tpu.memory_space<vmem>>, vector<1x1xf32>
    %get3A_562 = vector.extract %get3A_561[0, 0] : f32 from vector<1x1xf32>
    %broadcast_in_dim3A_563 = vector.broadcast %get3A_562 : f32 to vector<256x128xf32>
    %select_n3A_564 = arith.select %eq3A_552, %broadcast_in_dim3A_563, %select_n3A_531 : vector<256x128xi1>, vector<256x128xf32>
    %get3A_565 = arith.constant 2 : index
    %get3A_566 = arith.constant 15 : index
    %get3A_567 = vector.load %arg10[%get3A_565, %get3A_566] : memref<8x16xf32, #tpu.memory_space<vmem>>, vector<1x1xf32>
    %get3A_568 = vector.extract %get3A_567[0, 0] : f32 from vector<1x1xf32>
    %broadcast_in_dim3A_569 = vector.broadcast %get3A_568 : f32 to vector<256x128xf32>
    %select_n3A_570 = arith.select %eq3A_552, %broadcast_in_dim3A_569, %select_n3A_537 : vector<256x128xi1>, vector<256x128xf32>
    %get3A_571 = arith.constant 3 : index
    %get3A_572 = arith.constant 15 : index
    %get3A_573 = vector.load %arg10[%get3A_571, %get3A_572] : memref<8x16xf32, #tpu.memory_space<vmem>>, vector<1x1xf32>
    %get3A_574 = vector.extract %get3A_573[0, 0] : f32 from vector<1x1xf32>
    %broadcast_in_dim3A_575 = vector.broadcast %get3A_574 : f32 to vector<256x128xf32>
    %select_n3A_576 = arith.select %eq3A_552, %broadcast_in_dim3A_575, %select_n3A_543 : vector<256x128xi1>, vector<256x128xf32>
    %get3A_577 = arith.constant 4 : index
    %get3A_578 = arith.constant 15 : index
    %get3A_579 = vector.load %arg10[%get3A_577, %get3A_578] : memref<8x16xf32, #tpu.memory_space<vmem>>, vector<1x1xf32>
    %get3A_580 = vector.extract %get3A_579[0, 0] : f32 from vector<1x1xf32>
    %broadcast_in_dim3A_581 = vector.broadcast %get3A_580 : f32 to vector<256x128xf32>
    %select_n3A_582 = arith.select %eq3A_552, %broadcast_in_dim3A_581, %select_n3A_549 : vector<256x128xi1>, vector<256x128xf32>
    %sub3A = arith.subf %get3A_35, %select_n3A_570 : vector<256x128xf32>
    %sub3A_583 = arith.subf %get3A_41, %select_n3A_582 : vector<256x128xf32>
    %mul3A = arith.mulf %select_n3A_558, %sub3A : vector<256x128xf32>
    %mul3A_584 = arith.mulf %select_n3A_564, %sub3A_583 : vector<256x128xf32>
    %add3A = arith.addf %mul3A, %mul3A_584 : vector<256x128xf32>
    %neg3A_585 = arith.constant 0.000000e+00 : f32
    %neg3A_586 = vector.broadcast %neg3A_585 : f32 to vector<256x128xf32>
    %neg3A_587 = arith.subf %neg3A_586, %select_n3A_564 : vector<256x128xf32>
    %mul3A_588 = arith.mulf %neg3A_587, %sub3A : vector<256x128xf32>
    %mul3A_589 = arith.mulf %select_n3A_558, %sub3A_583 : vector<256x128xf32>
    %add3A_590 = arith.addf %mul3A_588, %mul3A_589 : vector<256x128xf32>
    %add3A_591 = arith.constant 1.200000e+01 : f32
    %add3A_592 = vector.broadcast %add3A_591 : f32 to vector<256x128xf32>
    %add3A_593 = arith.addf %add3A_590, %add3A_592 : vector<256x128xf32>
    %div3A = arith.constant 1.000000e-01 : f32
    %div3A_594 = vector.broadcast %div3A : f32 to vector<256x128xf32>
    %div3A_595 = arith.divf %add3A_593, %div3A_594 : vector<256x128xf32>
    %round3A = math.roundeven %div3A_595 : vector<256x128xf32>
    %convert_element_type3A = arith.fptosi %round3A : vector<256x128xf32> to vector<256x128xi32>
    %add3A_596 = arith.constant 1.200000e+01 : f32
    %add3A_597 = vector.broadcast %add3A_596 : f32 to vector<256x128xf32>
    %add3A_598 = arith.addf %add3A, %add3A_597 : vector<256x128xf32>
    %div3A_599 = arith.constant 1.000000e-01 : f32
    %div3A_600 = vector.broadcast %div3A_599 : f32 to vector<256x128xf32>
    %div3A_601 = arith.divf %add3A_598, %div3A_600 : vector<256x128xf32>
    %round3A_602 = math.roundeven %div3A_601 : vector<256x128xf32>
    %convert_element_type3A_603 = arith.fptosi %round3A_602 : vector<256x128xf32> to vector<256x128xi32>
    %mul3A_604 = arith.constant 32768 : i32
    %mul3A_605 = arith.muli %arg0, %mul3A_604 : i32
    %iota3A = tpu.iota {dimensions = array<i32: 0>} : vector<256x128xi32>
    %mul3A_606 = arith.constant 128 : i32
    %mul3A_607 = vector.broadcast %mul3A_606 : i32 to vector<256x128xi32>
    %mul3A_608 = arith.muli %iota3A, %mul3A_607 : vector<256x128xi32>
    %add3A_609 = vector.broadcast %mul3A_605 : i32 to vector<256x128xi32>
    %add3A_610 = arith.addi %add3A_609, %mul3A_608 : vector<256x128xi32>
    %iota3A_611 = tpu.iota {dimensions = array<i32: 1>} : vector<256x128xi32>
    %add3A_612 = arith.addi %add3A_610, %iota3A_611 : vector<256x128xi32>
    %sub3A_613 = arith.constant 1.250000e+00 : f32
    %sub3A_614 = vector.broadcast %sub3A_613 : f32 to vector<256x128xf32>
    %sub3A_615 = arith.subf %select_n3A_576, %sub3A_614 : vector<256x128xf32>
    %gt3A = arith.cmpf ogt, %get3A_38, %sub3A_615 : vector<256x128xf32>
    %add3A_616 = arith.constant 7.500000e-01 : f32
    %add3A_617 = vector.broadcast %add3A_616 : f32 to vector<256x128xf32>
    %add3A_618 = arith.addf %select_n3A_576, %add3A_617 : vector<256x128xf32>
    %lt3A = arith.cmpf olt, %get3A_38, %add3A_618 : vector<256x128xf32>
    %and3A = arith.andi %gt3A, %lt3A : vector<256x128xi1>
    %lt3A_619 = arith.constant 1000000 : i32
    %lt3A_620 = vector.broadcast %lt3A_619 : i32 to vector<256x128xi32>
    %lt3A_621 = arith.cmpi slt, %add3A_612, %lt3A_620 : vector<256x128xi32>
    %and3A_622 = arith.andi %and3A, %lt3A_621 : vector<256x128xi1>
    %ge3A = arith.constant 0 : i32
    %ge3A_623 = vector.broadcast %ge3A : i32 to vector<256x128xi32>
    %ge3A_624 = arith.cmpi sge, %convert_element_type3A, %ge3A_623 : vector<256x128xi32>
    %and3A_625 = arith.andi %and3A_622, %ge3A_624 : vector<256x128xi1>
    %lt3A_626 = arith.constant 240 : i32
    %lt3A_627 = vector.broadcast %lt3A_626 : i32 to vector<256x128xi32>
    %lt3A_628 = arith.cmpi slt, %convert_element_type3A, %lt3A_627 : vector<256x128xi32>
    %and3A_629 = arith.andi %and3A_625, %lt3A_628 : vector<256x128xi1>
    %ge3A_630 = arith.constant 0 : i32
    %ge3A_631 = vector.broadcast %ge3A_630 : i32 to vector<256x128xi32>
    %ge3A_632 = arith.cmpi sge, %convert_element_type3A_603, %ge3A_631 : vector<256x128xi32>
    %and3A_633 = arith.andi %and3A_629, %ge3A_632 : vector<256x128xi1>
    %lt3A_634 = arith.constant 240 : i32
    %lt3A_635 = vector.broadcast %lt3A_634 : i32 to vector<256x128xi32>
    %lt3A_636 = arith.cmpi slt, %convert_element_type3A_603, %lt3A_635 : vector<256x128xi32>
    %and3A_637 = arith.andi %and3A_633, %lt3A_636 : vector<256x128xi1>
    %jit3A = arith.constant 0 : i32
    %jit3A_638 = arith.constant 239 : i32
    %max3A = vector.broadcast %jit3A : i32 to vector<256x128xi32>
    %max3A_639 = arith.maxsi %max3A, %convert_element_type3A : vector<256x128xi32>
    %min3A = vector.broadcast %jit3A_638 : i32 to vector<256x128xi32>
    %min3A_640 = arith.minsi %min3A, %max3A_639 : vector<256x128xi32>
    %jit3A_641 = arith.constant 0 : i32
    %jit3A_642 = arith.constant 239 : i32
    %max3A_643 = vector.broadcast %jit3A_641 : i32 to vector<256x128xi32>
    %max3A_644 = arith.maxsi %max3A_643, %convert_element_type3A_603 : vector<256x128xi32>
    %min3A_645 = vector.broadcast %jit3A_642 : i32 to vector<256x128xi32>
    %min3A_646 = arith.minsi %min3A_645, %max3A_644 : vector<256x128xi32>
    %mul3A_647 = arith.constant 20 : i32
    %mul3A_648 = vector.broadcast %mul3A_647 : i32 to vector<256x128xi32>
    %mul3A_649 = arith.muli %get3A_44, %mul3A_648 : vector<256x128xi32>
    %add3A_650 = arith.addi %mul3A_649, %get3A_47 : vector<256x128xi32>
    %mul3A_651 = arith.constant 240 : i32
    %mul3A_652 = vector.broadcast %mul3A_651 : i32 to vector<256x128xi32>
    %mul3A_653 = arith.muli %add3A_650, %mul3A_652 : vector<256x128xi32>
    %add3A_654 = arith.addi %mul3A_653, %min3A_640 : vector<256x128xi32>
    %mul3A_655 = arith.constant 240 : i32
    %mul3A_656 = vector.broadcast %mul3A_655 : i32 to vector<256x128xi32>
    %mul3A_657 = arith.muli %add3A_654, %mul3A_656 : vector<256x128xi32>
    %add3A_658 = arith.addi %mul3A_657, %min3A_646 : vector<256x128xi32>
    %swap3A_659 = arith.constant 0 : index
    %swap3A_660 = arith.constant 0 : index
    %swap3A_661 = vector.load %arg8[%swap3A_659, %swap3A_660] : memref<256x128xi32, #tpu.memory_space<vmem>>, vector<256x128xi32>
    tpu.vector_store %arg8[%swap3A_659, %swap3A_660], %add3A_658 {strides = array<i32>} : memref<256x128xi32, #tpu.memory_space<vmem>>, vector<256x128xi32>,
    %sub3A_662 = arith.subf %get3A_38, %select_n3A_576 : vector<256x128xf32>
    %jit3A_663 = arith.constant 0.000000e+00 : f32
    %broadcast_in_dim3A_664 = vector.broadcast %jit3A_663 : f32 to vector<256x128xf32>
    %select_n3A_665 = arith.select %and3A_637, %sub3A_662, %broadcast_in_dim3A_664 : vector<256x128xi1>, vector<256x128xf32>
    %swap3A_666 = arith.constant 0 : index
    %swap3A_667 = arith.constant 0 : index
    %swap3A_668 = vector.load %arg9[%swap3A_666, %swap3A_667] : memref<256x128xf32, #tpu.memory_space<vmem>>, vector<256x128xf32>
    tpu.vector_store %arg9[%swap3A_666, %swap3A_667], %select_n3A_665 {strides = array<i32>} : memref<256x128xf32, #tpu.memory_space<vmem>>, vector<256x128xf32>,
    return
  }
  func.func @transform_0(%arg0: i32) -> (i32, i32) {
    %c0_i32 = arith.constant 0 : i32
    %c0_i32_0 = arith.constant 0 : i32
    return %arg0, %c0_i32 : i32, i32
  }
  func.func @transform_1(%arg0: i32) -> (i32, i32) {
    %c0_i32 = arith.constant 0 : i32
    %c0_i32_0 = arith.constant 0 : i32
    return %arg0, %c0_i32 : i32, i32
  }
  func.func @transform_2(%arg0: i32) -> (i32, i32) {
    %c0_i32 = arith.constant 0 : i32
    %c0_i32_0 = arith.constant 0 : i32
    return %arg0, %c0_i32 : i32, i32
  }
  func.func @transform_3(%arg0: i32) -> (i32, i32) {
    %c0_i32 = arith.constant 0 : i32
    %c0_i32_0 = arith.constant 0 : i32
    return %arg0, %c0_i32 : i32, i32
  }
  func.func @transform_4(%arg0: i32) -> (i32, i32) {
    %c0_i32 = arith.constant 0 : i32
    %c0_i32_0 = arith.constant 0 : i32
    return %arg0, %c0_i32 : i32, i32
  }
  func.func @transform_5(%arg0: i32) -> (i32, i32) {
    %c0_i32 = arith.constant 0 : i32
    %c0_i32_0 = arith.constant 0 : i32
    %c0_i32_1 = arith.constant 0 : i32
    return %c0_i32, %c0_i32_0 : i32, i32
  }
  func.func @transform_6(%arg0: i32) -> (i32, i32) {
    %c0_i32 = arith.constant 0 : i32
    %c0_i32_0 = arith.constant 0 : i32
    %c0_i32_1 = arith.constant 0 : i32
    return %c0_i32, %c0_i32_0 : i32, i32
  }
  func.func @transform_7(%arg0: i32) -> (i32, i32) {
    %c0_i32 = arith.constant 0 : i32
    %c0_i32_0 = arith.constant 0 : i32
    return %arg0, %c0_i32 : i32, i32
  }
  func.func @transform_8(%arg0: i32) -> (i32, i32) {
    %c0_i32 = arith.constant 0 : i32
    %c0_i32_0 = arith.constant 0 : i32
    return %arg0, %c0_i32 : i32, i32
  }
}

</mosaic_0001>

<sc_bundles>
// kernel: kernel.4.cloned.1.call-start
scs
__scs_entry_jumppad:
0x0: {  	(pc) =	sbr.rel $0x88, $3  }
0x1: {  	(tag) =	ssettag $0x0;
	lr =	simm.s32 $0x1  }
0x2: {  	[smem:$0x3F9C] =	sst lr;
	_ =	strace $0xD0000000  }
0x3: {  	_ = 	snop  }
0x4: {  	_ = 	snop  }
0x5: {  	_ = 	snop  }
0x6: {  	_ = 	snop  }
0x7: {  	_ = 	snop  }
__scs_overlays_trampoline_lowered:
0x8: {  	[smem:$0x3FAB] =	sst s0  }
0x9: {  	[smem:$0x3FAC] =	sst s1  }
0xa: {  	[smem:$0x3FAD] =	sst s2  }
0xb: {  	[smem:$0x3FAE] =	sst s3  }
0xc: {  	[smem:$0x3FAF] =	sst s4  }
0xd: {  	[smem:$0x3FB0] =	sst s5  }
0xe: {  	[smem:$0x3FB1] =	sst s6  }
0xf: {  	[smem:$0x3FB2] =	sst s7  }
0x10: {  	[smem:$0x3FB3] =	sst s8  }
0x11: {  	[smem:$0x3FB4] =	sst s9;
	s0 =	simm.s32 @!p0 $0x0  }
0x12: {  	s1 =	sld [smem:$0x3F9A];
	s0 =	simm.s32 @p0 $0x1  }
0x13: {  	[smem:$0x3FB5] =	sst s0;
	s0 =	simm.s32 @!p1 $0x0  }
0x14: {  	s2 =	sld [smem:$0x3F99];
	s0 =	simm.s32 @p1 $0x1  }
0x15: {  	[smem:$0x3FB6] =	sst s0;
	s0 =	simm.s32 @!p2 $0x0  }
0x16: {  	s3 =	sld [smem:$0x3FDB];
	s0 =	simm.s32 @p2 $0x1  }
0x17: {  	s4 =	simm.s32 $0x1BF5;
	[smem:$0x3FB8] =	sst s0  }
0x18: {  	s0 =	sld [smem:$0x3F9B];
	_ =	swait.ge [sflag:s4], $0x0  }
0x19: {  	s7 =	sld [smem:$0x3F9C]  }
0x1a: {  	s8 =	sadd.s32 $0xFFFFE003, lr  }
0x1b: {  	s9 =	sadd.s32 $0xFFFFFEF7, lr;
	s5 =	simm.s32 $0xFFFFFFFF;
	p2 =	slt.u32 s8, $0xFFFFF086  }
0x1c: {  	p1 =	slt.u32 s9, $0xF7A;
	s5 =	simm.s32 @!p2 $0x0  }
0x1d: {  	s5 =	simm.s32 @p1 $0x1;
	p0 =	seq.s32 s7, s2  }
0x1e: {  	s7 =	smul.u32 @!p0 $0xF7A, s2;
	p2 =	seq.s32 @!p0 s5, $0x0  }
0x1f: {  	s9 =	smul.u32 $0xF7A, s1;
	s8 =	simm.s32 @!p0 $0x1BF5;
	p2 =	por !p2, p0  }
0x20: {  	[sflag:s8] =	ssyncset.s32 @!p0 $0xFFFFF086;
	s6 =	sadd.s32 @!p0 s3, s7;
	s7 =	simm.s32 @!p0 $0x108  }
0x21: {  	s3 =	sadd.s32 s3, s9;
	s6 =	sadd.s32 @!p0 $0x88, s6;
	s7 =	simm.s32 @p2 $0x1082  }
0x22: {  	[simem:s7], [sflag:s8] =	dma.local @!p0 [hbm:s6], $0xF7A  }
0x23: {  	s9 =	sor.u32 $0xD0000000, s2;
	s6 =	simm.s32 $0x108;
	_ =	swait.ge @!p0 [sflag:s8], $0x0  }
0x24: {  	s3 =	sadd.s32 $0x88, s3;
	s6 =	simm.s32 @!p1 $0x1082;
	[sflag:s4] =	ssyncset.s32 $0xFFFFF086  }
0x25: {  	[simem:s6], [sflag:s4] =	dma.local [hbm:s3], $0xF7A  }
0x26: {  	[smem:$0x3F9C] =	sst s1;
	(tag) =	ssettag s2;
	_ =	strace s9  }
0x27: {  	s1 =	sld [smem:$0x3FAC]  }
0x28: {  	s2 =	sld [smem:$0x3FAD]  }
0x29: {  	s4 =	sld [smem:$0x3FAF]  }
0x2a: {  	p0 =	seq.s32 s5, $0x0;
	s5 =	sld [smem:$0x3FB0]  }
0x2b: {  	s6 =	sld [smem:$0x3FB1]  }
0x2c: {  	s7 =	sld [smem:$0x3FB2]  }
0x2d: {  	s3 =	simm.s32 $0x108;
	s8 =	sld [smem:$0x3FB3]  }
0x2e: {  	s3 =	simm.s32 @!p0 $0x1082;
	s9 =	sld [smem:$0x3FB4]  }
0x2f: {  	lr =	sadd.s32 s0, s3;
	s0 =	sld [smem:$0x3FAB]  }
0x30: {  	s3 =	sld [smem:$0x3FAE]  }
0x31: {  	[smem:$0x3FB7] =	sst s10  }
0x32: {  	s10 =	sld [smem:$0x3FB5];
	_ =	sdelay $0x3  }
0x33: {  	p0 =	seq.s32 s10, $0x1;
	s10 =	sld [smem:$0x3FB7];
	_ =	sdelay $0x3  }
0x34: {  	[smem:$0x3FB7] =	sst s10  }
0x35: {  	s10 =	sld [smem:$0x3FB6];
	_ =	sdelay $0x3  }
0x36: {  	p1 =	seq.s32 s10, $0x1;
	s10 =	sld [smem:$0x3FB7];
	_ =	sdelay $0x3  }
0x37: {  	[smem:$0x3FB7] =	sst s10  }
0x38: {  	s10 =	sld [smem:$0x3FB8]  }
0x39: {  	_ = 	snop;
	(pc) =	sbr.ind lr, $3  }
0x3a: {  	_ = 	snop  }
0x3b: {  	_ = 	snop  }
0x3c: {  	p2 =	seq.s32 s10, $0x1;
	s10 =	sld [smem:$0x3FB7]  }
0x3d: {  	_ =	shalt  }
0x3e: {  	_ =	shalt  }
0x3f: {  	_ =	shalt  }
0x40: {  	_ =	shalt  }
0x41: {  	_ =	shalt  }
0x42: {  	_ =	shalt  }
0x43: {  	_ =	shalt  }
0x44: {  	_ =	shalt  }
0x45: {  	_ =	shalt  }
0x46: {  	_ =	shalt  }
0x47: {  	_ =	shalt  }
0x48: {  	_ =	shalt  }
0x49: {  	_ =	shalt  }
0x4a: {  	_ =	shalt  }
0x4b: {  	_ =	shalt  }
0x4c: {  	_ =	shalt  }
0x4d: {  	_ =	shalt  }
0x4e: {  	_ =	shalt  }
0x4f: {  	_ =	shalt  }
0x50: {  	_ =	shalt  }
0x51: {  	_ =	shalt  }
0x52: {  	_ =	shalt  }
0x53: {  	_ =	shalt  }
0x54: {  	_ =	shalt  }
0x55: {  	_ =	shalt  }
0x56: {  	_ =	shalt  }
0x57: {  	_ =	shalt  }
0x58: {  	_ =	shalt  }
0x59: {  	_ =	shalt  }
0x5a: {  	_ =	shalt  }
0x5b: {  	_ =	shalt  }
0x5c: {  	_ =	shalt  }
0x5d: {  	_ =	shalt  }
0x5e: {  	_ =	shalt  }
0x5f: {  	_ =	shalt  }
0x60: {  	_ =	shalt  }
0x61: {  	_ =	shalt  }
0x62: {  	_ =	shalt  }
0x63: {  	_ =	shalt  }
0x64: {  	_ =	shalt  }
0x65: {  	_ =	shalt  }
0x66: {  	_ =	shalt  }
0x67: {  	_ =	shalt  }
0x68: {  	_ =	shalt  }
0x69: {  	_ =	shalt  }
0x6a: {  	_ =	shalt  }
0x6b: {  	_ =	shalt  }
0x6c: {  	_ =	shalt  }
0x6d: {  	_ =	shalt  }
0x6e: {  	_ =	shalt  }
0x6f: {  	_ =	shalt  }
0x70: {  	_ =	shalt  }
0x71: {  	_ =	shalt  }
0x72: {  	_ =	shalt  }
0x73: {  	_ =	shalt  }
0x74: {  	_ =	shalt  }
0x75: {  	_ =	shalt  }
0x76: {  	_ =	shalt  }
0x77: {  	_ =	shalt  }
0x78: {  	_ =	shalt  }
0x79: {  	_ =	shalt  }
0x7a: {  	_ =	shalt  }
0x7b: {  	_ =	shalt  }
0x7c: {  	_ =	shalt  }
0x7d: {  	_ =	shalt  }
0x7e: {  	_ =	shalt  }
0x7f: {  	_ =	shalt  }
0x80: {  	_ =	shalt  }
0x81: {  	_ =	shalt  }
0x82: {  	_ =	shalt  }
0x83: {  	_ =	shalt  }
0x84: {  	_ =	shalt  }
0x85: {  	_ =	shalt  }
0x86: {  	_ =	shalt  }
0x87: {  	_ =	shalt  }
.Lfunc_end0:
.L_simem_size_0:
called_computation_lowered:
.L_overlay_start_0:
0x88: {  	s2 =	sld [smem:$0x3FD9]  }
0x89: {  	s3 =	sld [smem:$0x3FFE];
	_ =	sdelay $0x1  }
0x8a: {  	s1 =	srdreg.scid  }
0x8b: {  	s0 =	sand.u32 $0x1, s1  }
0x8c: {  	s17 =	sshll.u32 s0, $0xA;
	s2 =	sadd.s32 s3, s2  }
0x8d: {  	s2 =	sadd.s32 s2, s17  }
0x8e: {  	[smem:$0x3FC3] =	sst s2  }
0x8f: {  	_ = 	snop  }
0x90: {  	s2 =	sld [smem:$0x3FD0];
	(tm) =	ssettm $0x1  }
0x91: {  	s18 =	sld [smem:$0x3FFB];
	_ =	sdelay $0x3  }
0x92: {  	_ =	strace s18  }
0x93: {  	s3 =	sld [smem:$0x3FFC];
	_ =	sdelay $0x3  }
0x94: {  	_ =	strace s3  }
0x95: {  	s3 =	sld [smem:$0x3FFD];
	_ =	sdelay $0x3  }
0x96: {  	_ =	strace s3  }
0x97: {  	_ =	strace $0x8FFFFFFF  }
0x98: {  	s19 =	sld [smem:$0x3FDB];
	_ =	sdelay $0x1  }
0x99: {  	s4 =	simm.s32 $_scs_section_size  }
0x9a: {  	s5 =	simm.s32 $_size__tile_overlayer_lowered;
	s6 =	simm.s32 $_tile_overlayer_lowered  }
0x9b: {  	s22 =	simm.s32 $0x1BFF;
	s21 =	sshll.u32 s6, $0x1;
	s3 =	sadd.s32 s4, s19  }
0x9c: {  	s7 =	simm.s32 $0x0;
	s20 =	sshll.u32 s5, $0x1;
	s5 =	sadd.s32 s21, s3  }
0x9d: {  	[timem:s7], [sflag:s22] =	dma.local [hbm:s5], s20  }
0x9e: {  	_ =	swait.ge [sflag:s22], s20  }
0x9f: {  	s4 =	ssub.s32 $0x0, s20;
	[sflag:s22] =	ssyncset.done $0x0  }
0xa0: {  	[sflag:s22] =	ssyncadd.s32 s4;
	_ =	sdelay $0x1  }
0xa1: {  	s23 =	simm.s32 $0x1B8B  }
0xa2: {  	_ =	swait.ge [sflag:s23], $0x1  }
0xa3: {  	[sflag:s23] =	ssyncset.done $0x0  }
0xa4: {  	s25 =	simm.s32 $0x1B8E;
	s24 =	sld [smem:$0x3FFE];
	[sflag:s23] =	ssyncadd.s32 $0xFFFFFFFF  }
0xa5: {  	s26 =	simm.s32 $execute0_lowered;
	[smem:$0x3FD2] =	sst s25  }
0xa6: {  	s5 =	sshll.u32 s26, $0x1;
	_ =	strace $0x80000046;
	[dreg:$0x1] =	wrdreg $0xFFFFFFFF  }
0xa7: {  	s28 =	simm.s32 $_size_execute0_lowered;
	s3 =	sadd.s32 s3, s5;
	[dreg:$0x0] =	wrdreg $0x0  }
0xa8: {  	s5 =	sshll.u32 s28, $0x1;
	[dreg:$0x2] =	wrdreg s3  }
0xa9: {  	[dreg:$0x3] =	wrdreg s5  }
0xaa: {  	[dreg:$0x4] =	wrdreg $0xC0  }
0xab: {  	_ =	task [dreg:s7], $0x5FFFF  }
0xac: {  	[dreg:$0x1] =	wrdreg $0xFFFFFFFF  }
0xad: {  	[dreg:$0x0] =	wrdreg $0x60  }
0xae: {  	[dreg:$0x2] =	wrdreg s24  }
0xaf: {  	[dreg:$0x3] =	wrdreg s2  }
0xb0: {  	[dreg:$0x4] =	wrdreg $0x0  }
0xb1: {  	[dreg:$0x5] =	wrdreg $0x9  }
0xb2: {  	_ =	task.clear_ibuf [dreg:s7], $0x6FFFF;
	_ =	strace $0x90000046  }
0xb3: {  	s29 =	simm.s32 $0x9;
	_ =	strace $0x80000048  }
0xb4: {  	_ =	swait.ge [sflag:s29], $0x1  }
0xb5: {  	[sflag:s29] =	ssyncadd.s32 $0xFFFFFFFF  }
0xb6: {  	_ =	strace $0x90000048  }
0xb7: {  	_ =	sfence  }
0xb8: {  	s30 =	sld [smem:$0x0];
	_ =	sdelay $0x2  }
0xb9: {  	s31 =	sshll.u32 s1, $0xD;
	s1 =	sshrl.u32 s1, $0x2  }
0xba: {  	s3 =	sand.u32 $0x4000, s31;
	s1 =	sadd.s32 s1, s30  }
0xbb: {  	s0 =	sor.u32 s3, s0;
	s1 =	sshll.u32 s1, $0x11  }
0xbc: {  	s0 =	sor.u32 s1, s0  }
0xbd: {  	s0 =	sadd.s32 $0x8F2B, s0  }
0xbe: {  	[sflag:s0] =	ssyncadd.remote.s32 $0x1  }
0xbf: {  	_ =	sfence.sel $0xFFFF  }
0xc0: {  	[dreg:$0x0] =	wrdreg $0xFFFFFFFF;
	(pc) =	sbr.abs _section_cstart, $3  }
0xc1: {  	[dreg:$0x1] =	wrdreg $0xFFFFFFFF  }
0xc2: {  	_ =	task.clear_ibuf [dreg:s7], $0x2FFFF;
	_ =	strace $0x9FFFFFFF  }
0xc3: {  	(tm) =	ssettm $0x7FFFFFFF  }
tec
execute0_lowered:
.L_overlay_start_1:
0x0: {  	(tag) =	ssettag $0x1  }
0x1: {  	s0 =	rddreg [dreg:$0x0]  }
0x2: {  	s2 =	rddreg [dreg:$0x1]  }
0x3: {  	s1 =	rddreg [dreg:$0x2]  }
0x4: {  	s3 =	simm.s32 $0x0;
	s4 =	srdreg.scid;
	s5 =	stileid.u32  }
0x5: {  	s19 =	simm.s32 $0x4;
	s22 =	simm.s32 $0x1D200;
	s28 =	simm.s32 $0x80  }
0x6: {  	s29 =	simm.s32 $0x3;
	s30 =	simm.s32 $0x2;
	[smem:$0x7FF] =	sst s3  }
0x7: {  	s4 =	sand.u32 $0x1, s4;
	s10 =	smul.u32 $0x1C200, s5;
	s6 =	sadd.s32 $0x20800, s0  }
0x8: {  	s7 =	sadd.s32 $0x800, s0;
	s0 =	sadd.s32 $0x40800, s0;
	s25 =	sshll.u32 s5, $0x6  }
0x9: {  	s26 =	sshll.u32 s5, $0x10;
	_ =	strace $0x80000047;
	[dreg:$0x4] =	wrdreg s4  }
0xa: {  	s31 =	sshll.u32 s5, $0xD;
	s4 =	ssub.s32 $0x2, s4;
	[dreg:$0x5] =	wrdreg s0  }
0xb: {  	s11 =	sadd.s32 s6, s31;
	s12 =	sadd.s32 s7, s31;
	s15 =	sor.u32 $0x1000, s26  }
0xc: {  	s16 =	sor.u32 $0x1800, s26;
	s26 =	simm.s32 $0x1EA00;
	s8 =	sshrl.u32 s4, $0x1  }
0xd: {  	s24 =	sshrl.u32 s10, $0x3;
	s9 =	smov.u32 s10;
	s17 =	sadd.s32 s10, s1  }
.Ltmp0:
0xe: {  	s10 =	sor.u32 $0x1C04, s25;
	s25 =	simm.s32 $0x1E200;
	(pc) =	sbr.rel .LBB2_1-.Ltmp0, $4  }
0xf: {  	s23 =	ssub.s32 s4, s8;
	s2 =	sadd.s32 s2, s24;
	s4 =	sor.u32 $0x100, s31  }
0x10: {  	s18 =	sshrl.u32 s17, $0x3;
	s24 =	simm.s32 $0x1;
	[dreg:$0x6] =	wrdreg s2  }
0x11: {  	s13 =	sadd.s32 s6, s4;
	s14 =	sadd.s32 s7, s4;
	s0 =	smax.u32 s23, $0x1  }
0x12: {  	v0 =	vimm.s32 $0x1;
	v1 =	vlaneseq.u32;
	v2 =	vimm.f32 $0.0e+00;
	s23 =	simm.s32 $0x1DA00;
	s2 =	simm.s32 $0x0;
	[dreg:$0x7] =	wrdreg s0  }
.LBB2_22:
0x13: {  	s2 =	rddreg [dreg:$0x8]  }
0x14: {  	s0 =	rddreg [dreg:$0x7];
	s2 =	sadd.s32 $0x1, s2  }
0x15: {  	p0 =	sne.s32 s2, s0  }
.Ltmp1:
0x16: {  	_ = 	snop;
	(pc) =	sbr.rel @!p0 .LBB2_23-.Ltmp1, $1  }
0x17: {  	_ =	sdelay $0x3  }
.LBB2_1:
.Ltmp2:
0x18: {  	(pc) =	sbr.rel .LBB2_2-.Ltmp2, $2  }
0x19: {  	_ =	sdelay $0x2  }
0x1a: {  	[dreg:$0x8] =	wrdreg s2;
	s0 =	simm.s32 $0x0  }
.LBB2_21:
0x1b: {  	s2 =	sadd.s32 s9, s17;
	[bflag:$0x0] =	sbarrier.arrive $0xFFFF  }
0x1c: {  	s0 =	sadd.s32 $0x1, s0;
	s2 =	sshrl.u32 s2, $0x3;
	s4 =	rddreg [dreg:$0x5]  }
0x1d: {  	p0 =	sne.s32 s0, $0x5;
	s2 =	sadd.s32 s4, s2  }
0x1e: {  	[hbm:s2], [sflag:s10] =	dma.local [spmem:s18], $0x3840  }
.Ltmp3:
0x1f: {  	_ =	swait.ge [sflag:s19], $0x3840;
	(pc) =	sbr.rel @!p0 .LBB2_22-.Ltmp3, $3  }
0x20: {  	[sflag:s19] =	ssyncset.done $0x0  }
0x21: {  	[sflag:s19] =	ssyncadd.s32 $0xFFFFC7C0  }
0x22: {  	[bflag:$0x0] =	sbarrier.arrive $0xFFFF;
	_ =	sdelay $0x1  }
.LBB2_2:
0x23: {  	s2 =	rddreg [dreg:$0x6]  }
0x24: {  	[spmem:s18], [sflag:s10] =	dma.local [hbm:s2], $0x3840  }
0x25: {  	_ =	swait.ge [sflag:s19], $0x3840  }
0x26: {  	[sflag:s19] =	ssyncset.done $0x0  }
0x27: {  	[sflag:s19] =	ssyncadd.s32 $0xFFFFC7C0  }
0x28: {  	s4 =	simm.s32 $0x1C200;
	s2 =	simm.s32 $0x0;
	[bflag:$0x0] =	sbarrier.arrive $0xFFFF  }
0x29: {  	[tilespmem:s4], [sflag:$0x1] =	stream.linear.gather [hbm4b:s11+s2], $0x800, $0x38;
	[tilespmem:$0x1F200] =	vst v63  }
0x2a: {  	s21 =	sshll.u32 s0, $0x1;
	s31 =	rddreg [dreg:$0x4]  }
0x2b: {  	s5 =	simm.s32 $0x1CA00;
	s4 =	sor.u32 s31, s21  }
0x2c: {  	[tilespmem:s5], [sflag:$0x1] =	stream.linear.gather [hbm4b:s12+s2], $0x800, $0x38;
	[tilespmem:$0x1F200] =	vst v63  }
0x2d: {  	s17 =	smul.u32 $0x1C2000, s4  }
0x2e: {  	[tilespmem:s22], [sflag:$0x2] =	stream.linear.gather [hbm4b:s13+s2], $0x800, $0x38;
	[tilespmem:$0x1F200] =	vst v63  }
0x2f: {  	_ = 	snop  }
0x30: {  	v3 =	vmov s17;
	[tilespmem:s23], [sflag:$0x2] =	stream.linear.gather [hbm4b:s14+s2], $0x800, $0x38;
	[tilespmem:$0x1F200] =	vst v63  }
.LBB2_3:
0x31: {  	_ =	swait.ge [sflag:s24], $0x800  }
0x32: {  	[sflag:s24] =	ssyncset.done $0x0  }
0x33: {  	[sflag:s24] =	ssyncadd.s32 $0xFFFFF800  }
0x34: {  	_ =	swait.ge [sflag:s24], $0x800  }
0x35: {  	[sflag:s24] =	ssyncset.done $0x0  }
0x36: {  	s4 =	simm.s32 $0x1C240;
	[sflag:s24] =	ssyncadd.s32 $0xFFFFF800  }
0x37: {  	v4 =	vld [tilespmem:s4+$0x30]  }
0x38: {  	v5 =	vld [tilespmem:s4+$0xFFFFFFD0]  }
0x39: {  	v6 =	vld [tilespmem:s4+$0xFFFFFFE0]  }
0x3a: {  	v7 =	vld [tilespmem:s4+$0xFFFFFFF0]  }
0x3b: {  	v8 =	vld [tilespmem:s4+$0x0]  }
0x3c: {  	v9 =	vld [tilespmem:s4+$0xFFFFFFC0];
	v15 =	vsub.s32 v4, v3  }
0x3d: {  	v10 =	vld [tilespmem:s4+$0x10];
	v5 =	vsub.s32 v5, v3;
	vm1 =	vlt.u32 v15, $0x1C2000  }
0x3e: {  	v4 =	vld [tilespmem:s4+$0x20];
	v6 =	vsub.s32 v6, v3;
	vm2 =	vlt.u32 v5, $0x1C2000;
	(xrf0) =	vadd.scan.msk.s32 vm1, v0  }
0x3f: {  	vm0 =	vlt.u32 v6, $0x1C2000;
	(xrf0) =	vadd.scan.msk.s32 vm2, v0  }
0x40: {  	v12 =	vsub.s32 v7, v3;
	(xrf0) =	vadd.scan.msk.s32 vm0, v0  }
0x41: {  	v13 =	vsub.s32 v8, v3;
	v14 =	vsub.s32 v9, v3;
	v7 =	vimm.s32 $0xFFFFFFFF  }
0x42: {  	v22 =	vsub.s32 v10, v3;
	vm5 =	vlt.u32 v12, $0x1C2000;
	vm3 =	vlt.u32 v14, $0x1C2000  }
0x43: {  	vm4 =	vlt.u32 v13, $0x1C2000;
	(xrf0) =	vadd.scan.msk.s32 vm5, v0;
	v17 =	vsub.s32 v4, v3;
	v4 =	vmpcnt.ones.xlane vm3  }
0x44: {  	vm8 =	vlt.u32 v22, $0x1C2000;
	v8 =	vmpcnt.ones.xlane vm2;
	vm0 =	vmmov vm0;
	(xrf0) =	vadd.scan.msk.s32 vm4, v0;
	v10, _, _ =	vpop (xrf0)  }
0x45: {  	v9 =	vmpcnt.ones.xlane vm0;
	vm12 =	vlt.u32 v17, $0x1C2000;
	(xrf0) =	vadd.scan.msk.s32 vm3, v0;
	v4 =	vadd.s32 v7, v4;
	v11, _, _ =	vpop (xrf0)  }
0x46: {  	(xrf0) =	vadd.scan.msk.s32 vm12, v0;
	v19 =	vadd.s32 v4, v11;
	v4 =	vadd.s32 v4, v8;
	v8 =	vmpcnt.ones.xlane vm5;
	v11, _, _ =	vpop (xrf0)  }
0x47: {  	s21 =	simm.s32 $0x1C2C0;
	vm2 =	vmmov vm2;
	v21 =	vadd.s32 v4, v11;
	v11 =	vmpcnt.ones.xlane vm4  }
0x48: {  	v18 =	vld [tilespmem:s21+$0x30];
	v16 =	vmpcnt.ones.xlane vm8  }
0x49: {  	v20 =	vld [tilespmem:s21+$0x20];
	v4 =	vadd.s32 v4, v9;
	v9, _, _ =	vpop (xrf0)  }
0x4a: {  	v24 =	vld [tilespmem:s21+$0xFFFFFFC0];
	(xrf0) =	vadd.scan.msk.s32 vm8, v0;
	v9 =	vadd.s32 v4, v9;
	v4 =	vadd.s32 v4, v8;
	v8, _, _ =	vpop (xrf0)  }
0x4b: {  	v25 =	vld [tilespmem:s21+$0xFFFFFFF0];
	v8 =	vadd.s32 v4, v8;
	v4 =	vadd.s32 v4, v11;
	v11, _, _ =	vpop (xrf0)  }
0x4c: {  	v23 =	vld [tilespmem:s21+$0x10];
	v26 =	vmpcnt.ones.xlane vm12;
	v7 =	vadd.s32 v7, v11;
	v11 =	vadd.s32 v4, v16;
	v16, _, _ =	vpop (xrf0)  }
0x4d: {  	v27 =	vld [tilespmem:s21+$0xFFFFFFD0];
	vm1 =	vmmov vm1;
	[tilespmem:v19+s25+$0x0] =	vst.idx.msk vm2, v5;
	v28 =	vadd.s32 v11, v16  }
0x4e: {  	s31 =	simm.s32 $0x1CA40;
	v29 =	vld [tilespmem:s21+$0xFFFFFFE0];
	vm9 =	vmmov vm5;
	[tilespmem:v21+s25+$0x0] =	vst.idx.msk vm0, v6;
	v5 =	vadd.s32 v11, v26;
	v26 =	vmpcnt.ones.xlane vm1  }
0x4f: {  	vm7 =	vmmov vm4;
	vm6 =	vmmov vm3;
	v30 =	vld [tilespmem:s31+$0xFFFFFFD0];
	v6 =	vsub.s32 v20, v3;
	[tilespmem:v9+s25+$0x0] =	vst.idx.msk vm5, v12  }
0x50: {  	v31 =	vld [tilespmem:s21+$0x0];
	v12 =	vsub.s32 v25, v3;
	v16 =	vadd.s32 v5, v10;
	v11, _, _ =	vpop (xrf0);
	v10 =	vadd.s32 v5, v26  }
0x51: {  	vm5 =	vmmov vm8;
	v26 =	vld [tilespmem:s31+$0xFFFFFFE0];
	v5 =	vsub.s32 v18, v3;
	v11 =	vadd.s32 v4, v11;
	[tilespmem:v8+s25+$0x0] =	vst.idx.msk vm4, v13  }
0x52: {  	v13 =	vsub.s32 v27, v3;
	v4 =	vsub.s32 v23, v3;
	vm10 =	vlt.u32 v5, $0x1C2000;
	[tilespmem:v28+s25+$0x0] =	vst.idx.msk vm12, v17  }
0x53: {  	[tilespmem:v7+s25+$0x0] =	vst.idx.msk vm3, v14;
	vm11 =	vlt.u32 v13, $0x1C2000;
	v14 =	vsub.s32 v29, v3;
	(xrf0) =	vadd.scan.msk.s32 vm10, v0;
	v25 =	vld [tilespmem:s31+$0x20]  }
0x54: {  	v20 =	vld [tilespmem:s31+$0xFFFFFFF0];
	[tilespmem:v19+s26+$0x0] =	vst.idx.msk vm2, v30;
	vm3 =	vlt.u32 v12, $0x1C2000;
	vm14 =	vlt.u32 v14, $0x1C2000;
	(xrf0) =	vadd.scan.msk.s32 vm11, v0  }
0x55: {  	v19 =	vld [tilespmem:s31+$0x0];
	vm8 =	vlt.u32 v4, $0x1C2000;
	v17 =	vsub.s32 v31, v3;
	(xrf0) =	vadd.scan.msk.s32 vm14, v0;
	[tilespmem:v16+s25+$0x0] =	vst.idx.msk vm1, v15  }
0x56: {  	v15 =	vsub.s32 v24, v3;
	vm4 =	vlt.u32 v17, $0x1C2000;
	(xrf0) =	vadd.scan.msk.s32 vm3, v0;
	[tilespmem:v21+s26+$0x0] =	vst.idx.msk vm0, v26;
	v21 =	vld [tilespmem:s31+$0x30]  }
0x57: {  	v23 =	vmpcnt.ones.xlane vm11;
	v18 =	vld [tilespmem:s31+$0xFFFFFFC0];
	vm2 =	vlt.u32 v15, $0x1C2000;
	(xrf0) =	vadd.scan.msk.s32 vm4, v0;
	[tilespmem:v11+s25+$0x0] =	vst.idx.msk vm5, v22  }
0x58: {  	s20 =	simm.s32 $0x8;
	s21 =	simm.s32 $0x1C340;
	vm0 =	vlt.u32 v6, $0x1C2000;
	v24 =	vmpcnt.ones.xlane vm2;
	(xrf0) =	vadd.scan.msk.s32 vm2, v0;
	v22 =	vld [tilespmem:s31+$0x10];
	[tilespmem:v28+s26+$0x0] =	vst.idx.msk vm12, v25  }
.LBB2_4:
0x59: {  	v25 =	vld [tilespmem:s21+$0x30];
	s20 =	sadd.s32 $0x8, s20;
	(xrf0) =	vadd.scan.msk.s32 vm0, v0;
	v26, _, _ =	vpop (xrf0);
	[tilespmem:v9+s26+$0x0] =	vst.idx.msk vm9, v20;
	s31 =	sadd.s32 $0x80, s31;
	vm13 =	vmmov vm11;
	vm12 =	vmmov vm14  }
0x5a: {  	v27 =	vld [tilespmem:s21+$0x20];
	p0 =	slt.u32 s20, $0x78;
	v29 =	vadd.s32 v10, v24;
	v20 =	vmpcnt.ones.xlane vm12;
	v24, _, _ =	vpop (xrf0);
	(xrf0) =	vadd.scan.msk.s32 vm8, v0;
	[tilespmem:v8+s26+$0x0] =	vst.idx.msk vm7, v19  }
0x5b: {  	v19 =	vmpcnt.ones.xlane vm3;
	v28 =	vld [tilespmem:s21+$0xFFFFFFC0];
	v24 =	vadd.s32 v29, v24;
	v23 =	vadd.s32 v29, v23;
	v9, _, _ =	vpop (xrf0);
	[tilespmem:v16+s26+$0x0] =	vst.idx.msk vm1, v21  }
0x5c: {  	v16 =	vmpcnt.ones.xlane vm4;
	v21 =	vld [tilespmem:s21+$0x10];
	v29 =	vadd.s32 v23, v9;
	v20 =	vadd.s32 v23, v20;
	v9, _, _ =	vpop (xrf0);
	[tilespmem:v7+s26+$0x0] =	vst.idx.msk vm6, v18  }
0x5d: {  	v30 =	vld [tilespmem:s21+$0x0];
	v9 =	vadd.s32 v20, v9;
	v19 =	vadd.s32 v20, v19;
	v20 =	vmpcnt.ones.xlane vm8;
	v8, _, _ =	vpop (xrf0);
	[tilespmem:v11+s26+$0x0] =	vst.idx.msk vm5, v22  }
0x5e: {  	v22 =	vld [tilespmem:s21+$0xFFFFFFF0];
	v8 =	vadd.s32 v19, v8;
	v11 =	vadd.s32 v19, v16;
	v19 =	vmpcnt.ones.xlane vm0;
	v7, _, _ =	vpop (xrf0)  }
0x5f: {  	vm1 =	vmmov vm10;
	v23 =	vld [tilespmem:s21+$0xFFFFFFE0];
	v7 =	vadd.s32 v10, v7;
	v10 =	vadd.s32 v11, v20;
	v18, _, _ =	vpop (xrf0)  }
0x60: {  	v31 =	vld [tilespmem:s21+$0xFFFFFFD0];
	[tilespmem:v24+s25+$0x0] =	vst.idx.msk vm11, v13;
	v32 =	vadd.s32 v10, v18;
	v10 =	vadd.s32 v10, v19;
	v13 =	vmpcnt.ones.xlane vm1;
	v16, _, _ =	vpop (xrf0)  }
0x61: {  	vm9 =	vmmov vm3;
	v33 =	vld [tilespmem:s31+$0xFFFFFFD0];
	[tilespmem:v29+s25+$0x0] =	vst.idx.msk vm14, v14;
	v11 =	vadd.s32 v11, v16;
	v16 =	vadd.s32 v10, v26  }
0x62: {  	vm7 =	vmmov vm4;
	vm6 =	vmmov vm2;
	v26 =	vld [tilespmem:s31+$0xFFFFFFE0];
	[tilespmem:v9+s25+$0x0] =	vst.idx.msk vm3, v12;
	v10 =	vadd.s32 v10, v13  }
0x63: {  	vm5 =	vmmov vm8;
	v20 =	vld [tilespmem:s31+$0xFFFFFFF0];
	[tilespmem:v8+s25+$0x0] =	vst.idx.msk vm4, v17  }
0x64: {  	v25 =	vsub.s32 v25, v3;
	v17 =	vsub.s32 v27, v3;
	[tilespmem:v7+s25+$0x0] =	vst.idx.msk vm2, v15;
	v19 =	vld [tilespmem:s31+$0x0]  }
0x65: {  	vm10 =	vlt.u32 v25, $0x1C2000;
	v27 =	vsub.s32 v21, v3;
	v13 =	vsub.s32 v31, v3;
	v18 =	vld [tilespmem:s31+$0xFFFFFFC0];
	[tilespmem:v32+s25+$0x0] =	vst.idx.msk vm0, v6  }
0x66: {  	v12 =	vsub.s32 v22, v3;
	v14 =	vsub.s32 v23, v3;
	v6 =	vmovc v17;
	vm11 =	vlt.u32 v13, $0x1C2000;
	(xrf0) =	vadd.scan.msk.s32 vm10, v0;
	v31 =	vld [tilespmem:s31+$0x20]  }
.Ltmp4:
0x67: {  	vm14 =	vlt.u32 v14, $0x1C2000;
	v23 =	vmpcnt.ones.xlane vm11;
	(xrf0) =	vadd.scan.msk.s32 vm11, v0;
	[tilespmem:v24+s26+$0x0] =	vst.idx.msk vm13, v33;
	(pc) =	sbr.rel @p0 .LBB2_4-.Ltmp4, $4  }
0x68: {  	vm3 =	vlt.u32 v12, $0x1C2000;
	v17 =	vsub.s32 v30, v3;
	(xrf0) =	vadd.scan.msk.s32 vm14, v0;
	[tilespmem:v16+s25+$0x0] =	vst.idx.msk vm1, v5;
	v5 =	vmovc v25  }
0x69: {  	v15 =	vsub.s32 v28, v3;
	vm4 =	vlt.u32 v17, $0x1C2000;
	(xrf0) =	vadd.scan.msk.s32 vm3, v0;
	[tilespmem:v29+s26+$0x0] =	vst.idx.msk vm12, v26;
	v21 =	vld [tilespmem:s31+$0x30]  }
0x6a: {  	vm8 =	vlt.u32 v27, $0x1C2000;
	vm2 =	vlt.u32 v15, $0x1C2000;
	(xrf0) =	vadd.scan.msk.s32 vm4, v0;
	[tilespmem:v11+s25+$0x0] =	vst.idx.msk vm5, v4;
	v4 =	vmovc v27  }
0x6b: {  	s21 =	sadd.s32 $0x80, s21;
	v24 =	vmpcnt.ones.xlane vm2;
	(xrf0) =	vadd.scan.msk.s32 vm2, v0;
	v22 =	vld [tilespmem:s31+$0x10];
	[tilespmem:v32+s26+$0x0] =	vst.idx.msk vm0, v31;
	vm0 =	vlt.u32 v6, $0x1C2000  }
0x6c: {  	vm12 =	vmmov vm14  }
0x6d: {  	v24 =	vadd.s32 v10, v24;
	v25 =	vmpcnt.ones.xlane vm12  }
0x6e: {  	v26 =	vmpcnt.ones.xlane vm3;
	v23 =	vadd.s32 v24, v23  }
0x6f: {  	v27 =	vmpcnt.ones.xlane vm4;
	v25 =	vadd.s32 v23, v25  }
0x70: {  	v28 =	vmpcnt.ones.xlane vm8;
	v26 =	vadd.s32 v25, v26  }
0x71: {  	v29 =	vmpcnt.ones.xlane vm0;
	vm10 =	vmmov vm10;
	v27 =	vadd.s32 v26, v27  }
0x72: {  	v30 =	vmpcnt.ones.xlane vm10;
	v28 =	vadd.s32 v27, v28  }
0x73: {  	v29 =	vadd.s32 v28, v29  }
0x74: {  	(xrf0) =	vadd.scan.msk.s32 vm0, v0;
	v31, _, _ =	vpop (xrf0);
	v30 =	vadd.s32 v29, v30  }
0x75: {  	v32, _, _ =	vpop (xrf0);
	(xrf0) =	vadd.scan.msk.s32 vm8, v0;
	v30 =	vxor.u32 $0x80000000, v30  }
0x76: {  	v33, _, _ =	vpop (xrf0);
	(xrf0) =	vmax.scan.msk.u32 $0xffff, v30  }
0x77: {  	v44, _, _ =	vpop (xrf0)  }
0x78: {  	v34, _, _ =	vpop (xrf0)  }
0x79: {  	v35, _, _ =	vpop (xrf0)  }
0x7a: {  	v36, _, _ =	vpop (xrf0)  }
0x7b: {  	v37, _, _ =	vpop (xrf0)  }
0x7c: {  	v38, _, _ =	vpop (xrf0)  }
0x7d: {  	(v2sf) =	vpush v38, $0xF;
	_ =	sdelay $0x6  }
0x7e: {  	vm11 =	vmmov vm11  }
0x7f: {  	[tilespmem:v9+s26+$0x0] =	vst.idx.msk vm9, v20;
	v45 =	vadd.s32 v24, v32  }
0x80: {  	[tilespmem:v8+s26+$0x0] =	vst.idx.msk vm7, v19;
	v46 =	vadd.s32 v23, v33  }
0x81: {  	[tilespmem:v7+s26+$0x0] =	vst.idx.msk vm6, v18;
	v47 =	vadd.s32 v25, v44  }
0x82: {  	[tilespmem:v16+s26+$0x0] =	vst.idx.msk vm1, v21;
	v48 =	vadd.s32 v26, v34  }
0x83: {  	[tilespmem:v11+s26+$0x0] =	vst.idx.msk vm5, v22;
	v50 =	vadd.s32 v10, v35  }
0x84: {  	s4 =	sadd.s32 $0x80, s31;
	v49 =	vadd.s32 v28, v36;
	[tilespmem:v45+s25+$0x0] =	vst.idx.msk vm11, v13  }
0x85: {  	v13 =	vld [tilespmem:s4+$0xFFFFFFD0];
	[tilespmem:v46+s25+$0x0] =	vst.idx.msk vm14, v14  }
0x86: {  	v51 =	vadd.s32 v29, v31;
	[tilespmem:v47+s25+$0x0] =	vst.idx.msk vm3, v12;
	s21 =	spop (v2sf)  }
0x87: {  	v53 =	vadd.s32 v27, v37;
	[tilespmem:v48+s25+$0x0] =	vst.idx.msk vm4, v17;
	s20 =	sadd.s32 $0x80000080, s21;
	s31 =	sand.u32 $0x7F, s21  }
0x88: {  	vm14 =	vmmov vm3;
	v52 =	vld [tilespmem:s4+$0xFFFFFFE0];
	[tilespmem:v50+s25+$0x0] =	vst.idx.msk vm2, v15;
	s5 =	sshra.s32 s20, $0x1F;
	p0 =	slt.s32 s20, $0x1;
	p1 =	sne.s32 s31, $0x0  }
0x89: {  	vm15 =	vmmov vm4;
	v54 =	vld [tilespmem:s4+$0xFFFFFFF0];
	[tilespmem:v49+s25+$0x0] =	vst.idx.msk vm0, v6;
	s5 =	sshrl.u32 s5, $0x19;
	p0 =	por !p0, !p1  }
0x8a: {  	vm6 =	vmmov vm2;
	v55 =	vld [tilespmem:s4+$0x0];
	[tilespmem:v45+s26+$0x0] =	vst.idx.msk vm11, v13;
	s5 =	sadd.s32 s5, s20;
	p0 =	por !p0, !p0;
	s20 =	simm.s32 $0x1  }
0x8b: {  	v56 =	vld [tilespmem:s4+$0xFFFFFFC0];
	[tilespmem:v51+s25+$0x0] =	vst.idx.msk vm10, v5;
	s5 =	sshra.s32 s5, $0x7;
	s20 =	simm.s32 @!p0 $0x0  }
0x8c: {  	[tilespmem:v53+s25+$0x0] =	vst.idx.msk vm8, v4;
	v5 =	vld [tilespmem:s4+$0x30];
	s31 =	sadd.s32 $0x80000001, s21;
	s20 =	ssub.s32 s5, s20  }
0x8d: {  	v6 =	vld [tilespmem:s4+$0x20];
	[tilespmem:v46+s26+$0x0] =	vst.idx.msk vm12, v52;
	v4 =	vadd.s32 s31, v1;
	s5 =	sshll.u32 s20, $0x7  }
0x8e: {  	v57 =	vld [tilespmem:s4+$0x10];
	[tilespmem:v47+s26+$0x0] =	vst.idx.msk vm14, v54;
	s8 =	sadd.s32 $0x80000011, s21;
	vm7 =	vlt.s32 v4, s5  }
0x8f: {  	[tilespmem:v48+s26+$0x0] =	vst.idx.msk vm15, v55;
	v58 =	vadd.s32 s8, v1  }
0x90: {  	[tilespmem:v50+s26+$0x0] =	vst.idx.msk vm6, v56;
	s8 =	sadd.s32 $0x80000021, s21;
	vm9 =	vlt.s32 v58, s5  }
0x91: {  	[tilespmem:v51+s26+$0x0] =	vst.idx.msk vm10, v5;
	v5 =	vadd.s32 s8, v1  }
0x92: {  	[tilespmem:v49+s26+$0x0] =	vst.idx.msk vm0, v6;
	s8 =	sadd.s32 $0x80000031, s21;
	vm11 =	vlt.s32 v5, s5  }
0x93: {  	[tilespmem:v53+s26+$0x0] =	vst.idx.msk vm8, v57;
	s31 =	simm.s32 $0x1E200;
	v59 =	vand.u32 $0x7F, v4;
	v60 =	vadd.s32 s8, v1  }
0x94: {  	s4 =	simm.s32 $0x1EA00;
	s8 =	sadd.s32 $0x80000041, s21;
	vm1 =	vlt.s32 v60, s5;
	[tilespmem:v4+s31+$0x0] =	vst.idx.msk vm7, v59  }
0x95: {  	v61 =	vadd.s32 s8, v1;
	[tilespmem:v4+s4+$0x0] =	vst.idx.msk vm7, v2;
	v4 =	vand.u32 $0x7F, v58  }
0x96: {  	s8 =	sadd.s32 $0x80000051, s21;
	vm12 =	vlt.s32 v61, s5;
	[tilespmem:v58+s31+$0x0] =	vst.idx.msk vm9, v4  }
0x97: {  	vm13 =	vmmov vm8;
	v62 =	vadd.s32 s8, v1;
	v4 =	vand.u32 $0x7F, v5;
	[tilespmem:v58+s4+$0x0] =	vst.idx.msk vm9, v2  }
0x98: {  	s8 =	sadd.s32 $0x80000061, s21;
	vm13 =	vlt.s32 v62, s5;
	[tilespmem:v5+s31+$0x0] =	vst.idx.msk vm11, v4  }
0x99: {  	v4 =	vand.u32 $0x7F, v60;
	[tilespmem:v5+s4+$0x0] =	vst.idx.msk vm11, v2;
	v5 =	vadd.s32 s8, v1  }
0x9a: {  	s21 =	sadd.s32 $0x80000071, s21;
	[tilespmem:v60+s31+$0x0] =	vst.idx.msk vm1, v4;
	vm14 =	vlt.s32 v5, s5  }
0x9b: {  	v63 =	vadd.s32 s21, v1;
	v4 =	vand.u32 $0x7F, v61;
	[tilespmem:v60+s4+$0x0] =	vst.idx.msk vm1, v2  }
0x9c: {  	vm15 =	vlt.s32 v63, s5;
	[tilespmem:v61+s31+$0x0] =	vst.idx.msk vm12, v4  }
0x9d: {  	v4 =	vand.u32 $0x7F, v62;
	[tilespmem:v61+s4+$0x0] =	vst.idx.msk vm12, v2  }
0x9e: {  	p0 =	slt.s32 s20, $0x1;
	[tilespmem:v62+s31+$0x0] =	vst.idx.msk vm13, v4  }
.Ltmp5:
0x9f: {  	v4 =	vand.u32 $0x7F, v5;
	[tilespmem:v62+s4+$0x0] =	vst.idx.msk vm13, v2;
	(pc) =	sbr.rel @p0 .LBB2_11-.Ltmp5, $4  }
0xa0: {  	[tilespmem:v5+s31+$0x0] =	vst.idx.msk vm14, v4  }
0xa1: {  	v4 =	vand.u32 $0x7F, v63;
	[tilespmem:v5+s4+$0x0] =	vst.idx.msk vm14, v2  }
0xa2: {  	[tilespmem:v63+s31+$0x0] =	vst.idx.msk vm15, v4  }
0xa3: {  	[tilespmem:v63+s4+$0x0] =	vst.idx.msk vm15, v2  }
0xa4: {  	p0 =	sne.s32 s20, $0x1  }
.Ltmp6:
0xa5: {  	_ = 	snop;
	(pc) =	sbr.rel @!p0 .LBB2_8-.Ltmp6, $3  }
0xa6: {  	_ =	sdelay $0x1  }
0xa7: {  	[spmem:s1] =	stream.indirect.scatter.add.f32 [tilespmem:s4], [sflag:$0x3], $0x1, s31, s28, $0xb8;
	[tilespmem:$0x1F200] =	vst v63  }
0xa8: {  	s21 =	sadd.s32 $0xFFFFFFFF, s20  }
.LBB2_7:
0xa9: {  	p0 =	sne.s32 s21, $0x1  }
.Ltmp7:
0xaa: {  	_ = 	snop;
	(pc) =	sbr.rel @p0 .LBB2_7-.Ltmp7, $4  }
0xab: {  	_ = 	snop  }
0xac: {  	s4 =	sadd.s32 $0x80, s4;
	s31 =	sadd.s32 $0x80, s31  }
0xad: {  	s21 =	sadd.s32 $0xFFFFFFFF, s21  }
0xae: {  	[spmem:s1] =	stream.indirect.scatter.add.f32 [tilespmem:s4], [sflag:$0x3], $0x1, s31, s28, $0xb8;
	[tilespmem:$0x1F200] =	vst v63  }
.LBB2_8:
0xaf: {  	p0 =	sne.s32 s20, $0x1  }
.Ltmp8:
0xb0: {  	_ = 	snop;
	(pc) =	sbr.rel @!p0 .LBB2_10-.Ltmp8, $3  }
0xb1: {  	_ =	sdelay $0x1  }
0xb2: {  	_ =	swait.ge [sflag:s29], $0x80  }
0xb3: {  	s4 =	sadd.s32 $0xFFFFFFFF, s20;
	[sflag:s29] =	ssyncset.done $0x0  }
.LBB2_9:
0xb4: {  	p0 =	sne.s32 s4, $0x1;
	s4 =	sadd.s32 $0xFFFFFFFF, s4;
	[sflag:s29] =	ssyncadd.s32 $0xFFFFFF80  }
.Ltmp9:
0xb5: {  	(pc) =	sbr.rel @p0 .LBB2_9-.Ltmp9, $3  }
0xb6: {  	_ =	sdelay $0x1  }
0xb7: {  	_ =	swait.ge [sflag:s29], $0x80  }
0xb8: {  	[sflag:s29] =	ssyncset.done $0x0  }
.LBB2_10:
0xb9: {  	[sflag:s29] =	ssyncadd.s32 $0xFFFFFF80  }
.LBB2_11:
0xba: {  	p0 =	seq.s32 s2, $0xF  }
0xbb: {  	s4 =	sshll.u32 @!p0 s2, $0xC  }
0xbc: {  	s4 =	sadd.s32 @!p0 s4, s15  }
0xbd: {  	s4 =	sshrl.u32 @!p0 s4, $0x3  }
0xbe: {  	s8 =	simm.s32 @!p0 $0x0;
	s20 =	simm.s32 @!p0 $0x1C200;
	s5 =	sadd.s32 @!p0 s6, s4  }
0xbf: {  	[tilespmem:s20], [sflag:$0x1] =	stream.linear.gather @!p0 [hbm4b:s5+s8], $0x800, $0x38;
	[tilespmem:$0x1F200] =	vst v63  }
0xc0: {  	s4 =	sadd.s32 @!p0 s7, s4;
	s5 =	simm.s32 @!p0 $0x1CA00  }
0xc1: {  	[tilespmem:s5], [sflag:$0x1] =	stream.linear.gather @!p0 [hbm4b:s4+s8], $0x800, $0x38;
	[tilespmem:$0x1F200] =	vst v63  }
0xc2: {  	_ =	swait.ge [sflag:s30], $0x800  }
0xc3: {  	[sflag:s30] =	ssyncset.done $0x0  }
0xc4: {  	[sflag:s30] =	ssyncadd.s32 $0xFFFFF800  }
0xc5: {  	_ =	swait.ge [sflag:s30], $0x800  }
0xc6: {  	[sflag:s30] =	ssyncset.done $0x0  }
0xc7: {  	s20 =	simm.s32 $0x1D240;
	[sflag:s30] =	ssyncadd.s32 $0xFFFFF800  }
0xc8: {  	v4 =	vld [tilespmem:s20+$0x30]  }
0xc9: {  	v5 =	vld [tilespmem:s20+$0xFFFFFFD0]  }
0xca: {  	v6 =	vld [tilespmem:s20+$0xFFFFFFE0]  }
0xcb: {  	v7 =	vld [tilespmem:s20+$0xFFFFFFF0]  }
0xcc: {  	v8 =	vld [tilespmem:s20+$0x0]  }
0xcd: {  	v9 =	vld [tilespmem:s20+$0xFFFFFFC0];
	v15 =	vsub.s32 v4, v3  }
0xce: {  	v10 =	vld [tilespmem:s20+$0x10];
	v5 =	vsub.s32 v5, v3;
	vm1 =	vlt.u32 v15, $0x1C2000  }
0xcf: {  	v4 =	vld [tilespmem:s20+$0x20];
	v6 =	vsub.s32 v6, v3;
	vm2 =	vlt.u32 v5, $0x1C2000;
	(xrf0) =	vadd.scan.msk.s32 vm1, v0  }
0xd0: {  	vm0 =	vlt.u32 v6, $0x1C2000;
	(xrf0) =	vadd.scan.msk.s32 vm2, v0  }
0xd1: {  	v12 =	vsub.s32 v7, v3;
	(xrf0) =	vadd.scan.msk.s32 vm0, v0  }
0xd2: {  	v13 =	vsub.s32 v8, v3;
	v14 =	vsub.s32 v9, v3;
	v7 =	vimm.s32 $0xFFFFFFFF  }
0xd3: {  	v22 =	vsub.s32 v10, v3;
	vm5 =	vlt.u32 v12, $0x1C2000;
	vm3 =	vlt.u32 v14, $0x1C2000  }
0xd4: {  	vm4 =	vlt.u32 v13, $0x1C2000;
	(xrf0) =	vadd.scan.msk.s32 vm5, v0;
	v17 =	vsub.s32 v4, v3;
	v4 =	vmpcnt.ones.xlane vm3  }
0xd5: {  	vm8 =	vlt.u32 v22, $0x1C2000;
	v8 =	vmpcnt.ones.xlane vm2;
	vm0 =	vmmov vm0;
	(xrf0) =	vadd.scan.msk.s32 vm4, v0;
	v10, _, _ =	vpop (xrf0)  }
0xd6: {  	v9 =	vmpcnt.ones.xlane vm0;
	vm12 =	vlt.u32 v17, $0x1C2000;
	(xrf0) =	vadd.scan.msk.s32 vm3, v0;
	v4 =	vadd.s32 v7, v4;
	v11, _, _ =	vpop (xrf0)  }
0xd7: {  	(xrf0) =	vadd.scan.msk.s32 vm12, v0;
	v19 =	vadd.s32 v4, v11;
	v4 =	vadd.s32 v4, v8;
	v8 =	vmpcnt.ones.xlane vm5;
	v11, _, _ =	vpop (xrf0)  }
0xd8: {  	s21 =	simm.s32 $0x1D2C0;
	vm2 =	vmmov vm2;
	v21 =	vadd.s32 v4, v11;
	v11 =	vmpcnt.ones.xlane vm4  }
0xd9: {  	v18 =	vld [tilespmem:s21+$0x30];
	v16 =	vmpcnt.ones.xlane vm8  }
0xda: {  	v20 =	vld [tilespmem:s21+$0x20];
	v4 =	vadd.s32 v4, v9;
	v9, _, _ =	vpop (xrf0)  }
0xdb: {  	v24 =	vld [tilespmem:s21+$0xFFFFFFC0];
	(xrf0) =	vadd.scan.msk.s32 vm8, v0;
	v9 =	vadd.s32 v4, v9;
	v4 =	vadd.s32 v4, v8;
	v8, _, _ =	vpop (xrf0)  }
0xdc: {  	v25 =	vld [tilespmem:s21+$0xFFFFFFF0];
	v8 =	vadd.s32 v4, v8;
	v4 =	vadd.s32 v4, v11;
	v11, _, _ =	vpop (xrf0)  }
0xdd: {  	v23 =	vld [tilespmem:s21+$0x10];
	v26 =	vmpcnt.ones.xlane vm12;
	v7 =	vadd.s32 v7, v11;
	v11 =	vadd.s32 v4, v16;
	v16, _, _ =	vpop (xrf0)  }
0xde: {  	v27 =	vld [tilespmem:s21+$0xFFFFFFD0];
	vm1 =	vmmov vm1;
	[tilespmem:v19+s25+$0x0] =	vst.idx.msk vm2, v5;
	v28 =	vadd.s32 v11, v16  }
0xdf: {  	s31 =	simm.s32 $0x1DA40;
	v29 =	vld [tilespmem:s21+$0xFFFFFFE0];
	vm9 =	vmmov vm5;
	[tilespmem:v21+s25+$0x0] =	vst.idx.msk vm0, v6;
	v5 =	vadd.s32 v11, v26;
	v26 =	vmpcnt.ones.xlane vm1  }
0xe0: {  	vm7 =	vmmov vm4;
	vm6 =	vmmov vm3;
	v30 =	vld [tilespmem:s31+$0xFFFFFFD0];
	v6 =	vsub.s32 v20, v3;
	[tilespmem:v9+s25+$0x0] =	vst.idx.msk vm5, v12  }
0xe1: {  	v31 =	vld [tilespmem:s21+$0x0];
	v12 =	vsub.s32 v25, v3;
	v16 =	vadd.s32 v5, v10;
	v11, _, _ =	vpop (xrf0);
	v10 =	vadd.s32 v5, v26  }
0xe2: {  	vm5 =	vmmov vm8;
	v26 =	vld [tilespmem:s31+$0xFFFFFFE0];
	v5 =	vsub.s32 v18, v3;
	v11 =	vadd.s32 v4, v11;
	[tilespmem:v8+s25+$0x0] =	vst.idx.msk vm4, v13  }
0xe3: {  	v13 =	vsub.s32 v27, v3;
	v4 =	vsub.s32 v23, v3;
	vm10 =	vlt.u32 v5, $0x1C2000;
	[tilespmem:v28+s25+$0x0] =	vst.idx.msk vm12, v17  }
0xe4: {  	[tilespmem:v7+s25+$0x0] =	vst.idx.msk vm3, v14;
	vm11 =	vlt.u32 v13, $0x1C2000;
	v14 =	vsub.s32 v29, v3;
	(xrf0) =	vadd.scan.msk.s32 vm10, v0;
	v25 =	vld [tilespmem:s31+$0x20]  }
0xe5: {  	v20 =	vld [tilespmem:s31+$0xFFFFFFF0];
	[tilespmem:v19+s26+$0x0] =	vst.idx.msk vm2, v30;
	vm3 =	vlt.u32 v12, $0x1C2000;
	vm14 =	vlt.u32 v14, $0x1C2000;
	(xrf0) =	vadd.scan.msk.s32 vm11, v0  }
0xe6: {  	v19 =	vld [tilespmem:s31+$0x0];
	vm8 =	vlt.u32 v4, $0x1C2000;
	v17 =	vsub.s32 v31, v3;
	(xrf0) =	vadd.scan.msk.s32 vm14, v0;
	[tilespmem:v16+s25+$0x0] =	vst.idx.msk vm1, v15  }
0xe7: {  	v15 =	vsub.s32 v24, v3;
	vm4 =	vlt.u32 v17, $0x1C2000;
	(xrf0) =	vadd.scan.msk.s32 vm3, v0;
	[tilespmem:v21+s26+$0x0] =	vst.idx.msk vm0, v26;
	v21 =	vld [tilespmem:s31+$0x30]  }
0xe8: {  	v23 =	vmpcnt.ones.xlane vm11;
	v18 =	vld [tilespmem:s31+$0xFFFFFFC0];
	vm2 =	vlt.u32 v15, $0x1C2000;
	(xrf0) =	vadd.scan.msk.s32 vm4, v0;
	[tilespmem:v11+s25+$0x0] =	vst.idx.msk vm5, v22  }
0xe9: {  	s21 =	simm.s32 $0x1D340;
	s20 =	simm.s32 $0x8;
	vm0 =	vlt.u32 v6, $0x1C2000;
	v24 =	vmpcnt.ones.xlane vm2;
	(xrf0) =	vadd.scan.msk.s32 vm2, v0;
	v22 =	vld [tilespmem:s31+$0x10];
	[tilespmem:v28+s26+$0x0] =	vst.idx.msk vm12, v25  }
.LBB2_12:
0xea: {  	v25 =	vld [tilespmem:s21+$0x30];
	s20 =	sadd.s32 $0x8, s20;
	(xrf0) =	vadd.scan.msk.s32 vm0, v0;
	v26, _, _ =	vpop (xrf0);
	[tilespmem:v9+s26+$0x0] =	vst.idx.msk vm9, v20;
	s31 =	sadd.s32 $0x80, s31;
	vm13 =	vmmov vm11;
	vm12 =	vmmov vm14  }
0xeb: {  	v27 =	vld [tilespmem:s21+$0x20];
	p1 =	slt.u32 s20, $0x78;
	v29 =	vadd.s32 v10, v24;
	v20 =	vmpcnt.ones.xlane vm12;
	v24, _, _ =	vpop (xrf0);
	(xrf0) =	vadd.scan.msk.s32 vm8, v0;
	[tilespmem:v8+s26+$0x0] =	vst.idx.msk vm7, v19  }
0xec: {  	v19 =	vmpcnt.ones.xlane vm3;
	v28 =	vld [tilespmem:s21+$0xFFFFFFC0];
	v24 =	vadd.s32 v29, v24;
	v23 =	vadd.s32 v29, v23;
	v9, _, _ =	vpop (xrf0);
	[tilespmem:v16+s26+$0x0] =	vst.idx.msk vm1, v21  }
0xed: {  	v16 =	vmpcnt.ones.xlane vm4;
	v21 =	vld [tilespmem:s21+$0x10];
	v29 =	vadd.s32 v23, v9;
	v20 =	vadd.s32 v23, v20;
	v9, _, _ =	vpop (xrf0);
	[tilespmem:v7+s26+$0x0] =	vst.idx.msk vm6, v18  }
0xee: {  	v30 =	vld [tilespmem:s21+$0x0];
	v9 =	vadd.s32 v20, v9;
	v19 =	vadd.s32 v20, v19;
	v20 =	vmpcnt.ones.xlane vm8;
	v8, _, _ =	vpop (xrf0);
	[tilespmem:v11+s26+$0x0] =	vst.idx.msk vm5, v22  }
0xef: {  	v22 =	vld [tilespmem:s21+$0xFFFFFFF0];
	v8 =	vadd.s32 v19, v8;
	v11 =	vadd.s32 v19, v16;
	v19 =	vmpcnt.ones.xlane vm0;
	v7, _, _ =	vpop (xrf0)  }
0xf0: {  	vm1 =	vmmov vm10;
	v23 =	vld [tilespmem:s21+$0xFFFFFFE0];
	v7 =	vadd.s32 v10, v7;
	v10 =	vadd.s32 v11, v20;
	v18, _, _ =	vpop (xrf0)  }
0xf1: {  	v31 =	vld [tilespmem:s21+$0xFFFFFFD0];
	[tilespmem:v24+s25+$0x0] =	vst.idx.msk vm11, v13;
	v32 =	vadd.s32 v10, v18;
	v10 =	vadd.s32 v10, v19;
	v13 =	vmpcnt.ones.xlane vm1;
	v16, _, _ =	vpop (xrf0)  }
0xf2: {  	vm9 =	vmmov vm3;
	v33 =	vld [tilespmem:s31+$0xFFFFFFD0];
	[tilespmem:v29+s25+$0x0] =	vst.idx.msk vm14, v14;
	v11 =	vadd.s32 v11, v16;
	v16 =	vadd.s32 v10, v26  }
0xf3: {  	vm7 =	vmmov vm4;
	vm6 =	vmmov vm2;
	v26 =	vld [tilespmem:s31+$0xFFFFFFE0];
	[tilespmem:v9+s25+$0x0] =	vst.idx.msk vm3, v12;
	v10 =	vadd.s32 v10, v13  }
0xf4: {  	vm5 =	vmmov vm8;
	v20 =	vld [tilespmem:s31+$0xFFFFFFF0];
	[tilespmem:v8+s25+$0x0] =	vst.idx.msk vm4, v17  }
0xf5: {  	v25 =	vsub.s32 v25, v3;
	v17 =	vsub.s32 v27, v3;
	[tilespmem:v7+s25+$0x0] =	vst.idx.msk vm2, v15;
	v19 =	vld [tilespmem:s31+$0x0]  }
0xf6: {  	vm10 =	vlt.u32 v25, $0x1C2000;
	v27 =	vsub.s32 v21, v3;
	v13 =	vsub.s32 v31, v3;
	v18 =	vld [tilespmem:s31+$0xFFFFFFC0];
	[tilespmem:v32+s25+$0x0] =	vst.idx.msk vm0, v6  }
0xf7: {  	v12 =	vsub.s32 v22, v3;
	v14 =	vsub.s32 v23, v3;
	v6 =	vmovc v17;
	vm11 =	vlt.u32 v13, $0x1C2000;
	(xrf0) =	vadd.scan.msk.s32 vm10, v0;
	v31 =	vld [tilespmem:s31+$0x20]  }
.Ltmp10:
0xf8: {  	vm14 =	vlt.u32 v14, $0x1C2000;
	v23 =	vmpcnt.ones.xlane vm11;
	(xrf0) =	vadd.scan.msk.s32 vm11, v0;
	[tilespmem:v24+s26+$0x0] =	vst.idx.msk vm13, v33;
	(pc) =	sbr.rel @p1 .LBB2_12-.Ltmp10, $4  }
0xf9: {  	vm3 =	vlt.u32 v12, $0x1C2000;
	v17 =	vsub.s32 v30, v3;
	(xrf0) =	vadd.scan.msk.s32 vm14, v0;
	[tilespmem:v16+s25+$0x0] =	vst.idx.msk vm1, v5;
	v5 =	vmovc v25  }
0xfa: {  	v15 =	vsub.s32 v28, v3;
	vm4 =	vlt.u32 v17, $0x1C2000;
	(xrf0) =	vadd.scan.msk.s32 vm3, v0;
	[tilespmem:v29+s26+$0x0] =	vst.idx.msk vm12, v26;
	v21 =	vld [tilespmem:s31+$0x30]  }
0xfb: {  	vm8 =	vlt.u32 v27, $0x1C2000;
	vm2 =	vlt.u32 v15, $0x1C2000;
	(xrf0) =	vadd.scan.msk.s32 vm4, v0;
	[tilespmem:v11+s25+$0x0] =	vst.idx.msk vm5, v4;
	v4 =	vmovc v27  }
0xfc: {  	s21 =	sadd.s32 $0x80, s21;
	v24 =	vmpcnt.ones.xlane vm2;
	(xrf0) =	vadd.scan.msk.s32 vm2, v0;
	v22 =	vld [tilespmem:s31+$0x10];
	[tilespmem:v32+s26+$0x0] =	vst.idx.msk vm0, v31;
	vm0 =	vlt.u32 v6, $0x1C2000  }
0xfd: {  	vm12 =	vmmov vm14  }
0xfe: {  	v24 =	vadd.s32 v10, v24;
	v25 =	vmpcnt.ones.xlane vm12  }
0xff: {  	v26 =	vmpcnt.ones.xlane vm3;
	v23 =	vadd.s32 v24, v23  }
0x100: {  	v27 =	vmpcnt.ones.xlane vm4;
	v25 =	vadd.s32 v23, v25  }
0x101: {  	v28 =	vmpcnt.ones.xlane vm8;
	v26 =	vadd.s32 v25, v26  }
0x102: {  	v29 =	vmpcnt.ones.xlane vm0;
	vm10 =	vmmov vm10;
	v27 =	vadd.s32 v26, v27  }
0x103: {  	v30 =	vmpcnt.ones.xlane vm10;
	v28 =	vadd.s32 v27, v28  }
0x104: {  	v29 =	vadd.s32 v28, v29  }
0x105: {  	(xrf0) =	vadd.scan.msk.s32 vm0, v0;
	v31, _, _ =	vpop (xrf0);
	v30 =	vadd.s32 v29, v30  }
0x106: {  	v32, _, _ =	vpop (xrf0);
	(xrf0) =	vadd.scan.msk.s32 vm8, v0;
	v30 =	vxor.u32 $0x80000000, v30  }
0x107: {  	v33, _, _ =	vpop (xrf0);
	(xrf0) =	vmax.scan.msk.u32 $0xffff, v30  }
0x108: {  	v44, _, _ =	vpop (xrf0)  }
0x109: {  	v34, _, _ =	vpop (xrf0)  }
0x10a: {  	v35, _, _ =	vpop (xrf0)  }
0x10b: {  	v36, _, _ =	vpop (xrf0)  }
0x10c: {  	v37, _, _ =	vpop (xrf0)  }
0x10d: {  	v38, _, _ =	vpop (xrf0)  }
0x10e: {  	(v2sf) =	vpush v38, $0xF;
	_ =	sdelay $0x6  }
0x10f: {  	vm11 =	vmmov vm11  }
0x110: {  	[tilespmem:v9+s26+$0x0] =	vst.idx.msk vm9, v20;
	v45 =	vadd.s32 v24, v32  }
0x111: {  	[tilespmem:v8+s26+$0x0] =	vst.idx.msk vm7, v19;
	v46 =	vadd.s32 v23, v33  }
0x112: {  	[tilespmem:v7+s26+$0x0] =	vst.idx.msk vm6, v18;
	v47 =	vadd.s32 v25, v44  }
0x113: {  	[tilespmem:v16+s26+$0x0] =	vst.idx.msk vm1, v21;
	v48 =	vadd.s32 v26, v34  }
0x114: {  	[tilespmem:v11+s26+$0x0] =	vst.idx.msk vm5, v22;
	v50 =	vadd.s32 v10, v35  }
0x115: {  	s4 =	sadd.s32 $0x80, s31;
	v49 =	vadd.s32 v28, v36;
	[tilespmem:v45+s25+$0x0] =	vst.idx.msk vm11, v13  }
0x116: {  	v13 =	vld [tilespmem:s4+$0xFFFFFFD0];
	[tilespmem:v46+s25+$0x0] =	vst.idx.msk vm14, v14  }
0x117: {  	v51 =	vadd.s32 v29, v31;
	[tilespmem:v47+s25+$0x0] =	vst.idx.msk vm3, v12;
	s21 =	spop (v2sf)  }
0x118: {  	v53 =	vadd.s32 v27, v37;
	[tilespmem:v48+s25+$0x0] =	vst.idx.msk vm4, v17;
	s5 =	sadd.s32 $0x80000080, s21;
	s8 =	sand.u32 $0x7F, s21  }
0x119: {  	vm14 =	vmmov vm3;
	v52 =	vld [tilespmem:s4+$0xFFFFFFE0];
	[tilespmem:v50+s25+$0x0] =	vst.idx.msk vm2, v15;
	s20 =	sshra.s32 s5, $0x1F;
	p1 =	slt.s32 s5, $0x1;
	p2 =	sne.s32 s8, $0x0  }
0x11a: {  	vm15 =	vmmov vm4;
	v54 =	vld [tilespmem:s4+$0xFFFFFFF0];
	[tilespmem:v49+s25+$0x0] =	vst.idx.msk vm0, v6;
	s20 =	sshrl.u32 s20, $0x19;
	p1 =	por !p1, !p2  }
0x11b: {  	vm6 =	vmmov vm2;
	v55 =	vld [tilespmem:s4+$0x0];
	[tilespmem:v45+s26+$0x0] =	vst.idx.msk vm11, v13;
	s8 =	simm.s32 $0x1;
	s5 =	sadd.s32 s20, s5;
	p1 =	por !p1, !p1  }
0x11c: {  	v56 =	vld [tilespmem:s4+$0xFFFFFFC0];
	[tilespmem:v51+s25+$0x0] =	vst.idx.msk vm10, v5;
	s5 =	sshra.s32 s5, $0x7;
	s8 =	simm.s32 @!p1 $0x0  }
0x11d: {  	[tilespmem:v53+s25+$0x0] =	vst.idx.msk vm8, v4;
	v5 =	vld [tilespmem:s4+$0x30];
	s31 =	sadd.s32 $0x80000001, s21;
	s20 =	ssub.s32 s5, s8  }
0x11e: {  	v6 =	vld [tilespmem:s4+$0x20];
	[tilespmem:v46+s26+$0x0] =	vst.idx.msk vm12, v52;
	v4 =	vadd.s32 s31, v1;
	s5 =	sshll.u32 s20, $0x7  }
0x11f: {  	v57 =	vld [tilespmem:s4+$0x10];
	[tilespmem:v47+s26+$0x0] =	vst.idx.msk vm14, v54;
	s8 =	sadd.s32 $0x80000011, s21;
	vm7 =	vlt.s32 v4, s5  }
0x120: {  	[tilespmem:v48+s26+$0x0] =	vst.idx.msk vm15, v55;
	v58 =	vadd.s32 s8, v1  }
0x121: {  	[tilespmem:v50+s26+$0x0] =	vst.idx.msk vm6, v56;
	s8 =	sadd.s32 $0x80000021, s21;
	vm9 =	vlt.s32 v58, s5  }
0x122: {  	[tilespmem:v51+s26+$0x0] =	vst.idx.msk vm10, v5;
	v5 =	vadd.s32 s8, v1  }
0x123: {  	[tilespmem:v49+s26+$0x0] =	vst.idx.msk vm0, v6;
	s8 =	sadd.s32 $0x80000031, s21;
	vm11 =	vlt.s32 v5, s5  }
0x124: {  	[tilespmem:v53+s26+$0x0] =	vst.idx.msk vm8, v57;
	s31 =	simm.s32 $0x1E200;
	v59 =	vand.u32 $0x7F, v4;
	v60 =	vadd.s32 s8, v1  }
0x125: {  	s4 =	simm.s32 $0x1EA00;
	s8 =	sadd.s32 $0x80000041, s21;
	vm1 =	vlt.s32 v60, s5;
	[tilespmem:v4+s31+$0x0] =	vst.idx.msk vm7, v59  }
0x126: {  	v61 =	vadd.s32 s8, v1;
	[tilespmem:v4+s4+$0x0] =	vst.idx.msk vm7, v2;
	v4 =	vand.u32 $0x7F, v58  }
0x127: {  	s8 =	sadd.s32 $0x80000051, s21;
	vm12 =	vlt.s32 v61, s5;
	[tilespmem:v58+s31+$0x0] =	vst.idx.msk vm9, v4  }
0x128: {  	vm13 =	vmmov vm8;
	v62 =	vadd.s32 s8, v1;
	v4 =	vand.u32 $0x7F, v5;
	[tilespmem:v58+s4+$0x0] =	vst.idx.msk vm9, v2  }
0x129: {  	s8 =	sadd.s32 $0x80000061, s21;
	vm13 =	vlt.s32 v62, s5;
	[tilespmem:v5+s31+$0x0] =	vst.idx.msk vm11, v4  }
0x12a: {  	v4 =	vand.u32 $0x7F, v60;
	[tilespmem:v5+s4+$0x0] =	vst.idx.msk vm11, v2;
	v5 =	vadd.s32 s8, v1  }
0x12b: {  	s21 =	sadd.s32 $0x80000071, s21;
	[tilespmem:v60+s31+$0x0] =	vst.idx.msk vm1, v4;
	vm14 =	vlt.s32 v5, s5  }
0x12c: {  	v63 =	vadd.s32 s21, v1;
	v4 =	vand.u32 $0x7F, v61;
	[tilespmem:v60+s4+$0x0] =	vst.idx.msk vm1, v2  }
0x12d: {  	vm15 =	vlt.s32 v63, s5;
	[tilespmem:v61+s31+$0x0] =	vst.idx.msk vm12, v4  }
0x12e: {  	v4 =	vand.u32 $0x7F, v62;
	[tilespmem:v61+s4+$0x0] =	vst.idx.msk vm12, v2  }
0x12f: {  	p1 =	slt.s32 s20, $0x1;
	[tilespmem:v62+s31+$0x0] =	vst.idx.msk vm13, v4  }
.Ltmp11:
0x130: {  	v4 =	vand.u32 $0x7F, v5;
	[tilespmem:v62+s4+$0x0] =	vst.idx.msk vm13, v2;
	(pc) =	sbr.rel @p1 .LBB2_19-.Ltmp11, $4  }
0x131: {  	[tilespmem:v5+s31+$0x0] =	vst.idx.msk vm14, v4  }
0x132: {  	v4 =	vand.u32 $0x7F, v63;
	[tilespmem:v5+s4+$0x0] =	vst.idx.msk vm14, v2  }
0x133: {  	[tilespmem:v63+s31+$0x0] =	vst.idx.msk vm15, v4  }
0x134: {  	[tilespmem:v63+s4+$0x0] =	vst.idx.msk vm15, v2  }
0x135: {  	p1 =	sne.s32 s20, $0x1  }
.Ltmp12:
0x136: {  	_ = 	snop;
	(pc) =	sbr.rel @!p1 .LBB2_16-.Ltmp12, $3  }
0x137: {  	_ =	sdelay $0x1  }
0x138: {  	[spmem:s1] =	stream.indirect.scatter.add.f32 [tilespmem:s4], [sflag:$0x3], $0x1, s31, s28, $0xb8;
	[tilespmem:$0x1F200] =	vst v63  }
0x139: {  	s21 =	sadd.s32 $0xFFFFFFFF, s20  }
.LBB2_15:
0x13a: {  	p1 =	sne.s32 s21, $0x1  }
.Ltmp13:
0x13b: {  	_ = 	snop;
	(pc) =	sbr.rel @p1 .LBB2_15-.Ltmp13, $4  }
0x13c: {  	_ = 	snop  }
0x13d: {  	s4 =	sadd.s32 $0x80, s4;
	s31 =	sadd.s32 $0x80, s31  }
0x13e: {  	s21 =	sadd.s32 $0xFFFFFFFF, s21  }
0x13f: {  	[spmem:s1] =	stream.indirect.scatter.add.f32 [tilespmem:s4], [sflag:$0x3], $0x1, s31, s28, $0xb8;
	[tilespmem:$0x1F200] =	vst v63  }
.LBB2_16:
0x140: {  	p1 =	sne.s32 s20, $0x1  }
.Ltmp14:
0x141: {  	_ = 	snop;
	(pc) =	sbr.rel @!p1 .LBB2_18-.Ltmp14, $3  }
0x142: {  	_ =	sdelay $0x1  }
0x143: {  	_ =	swait.ge [sflag:s29], $0x80  }
0x144: {  	s4 =	sadd.s32 $0xFFFFFFFF, s20;
	[sflag:s29] =	ssyncset.done $0x0  }
.LBB2_17:
0x145: {  	p1 =	sne.s32 s4, $0x1;
	s4 =	sadd.s32 $0xFFFFFFFF, s4;
	[sflag:s29] =	ssyncadd.s32 $0xFFFFFF80  }
.Ltmp15:
0x146: {  	(pc) =	sbr.rel @p1 .LBB2_17-.Ltmp15, $3  }
0x147: {  	_ =	sdelay $0x1  }
0x148: {  	_ =	swait.ge [sflag:s29], $0x80  }
0x149: {  	[sflag:s29] =	ssyncset.done $0x0  }
.LBB2_18:
0x14a: {  	[sflag:s29] =	ssyncadd.s32 $0xFFFFFF80  }
.LBB2_19:
.Ltmp16:
0x14b: {  	(pc) =	sbr.rel @p0 .LBB2_21-.Ltmp16, $1  }
0x14c: {  	_ =	sdelay $0x3  }
0x14d: {  	s4 =	sshll.u32 s2, $0xC  }
0x14e: {  	s4 =	sadd.s32 s4, s16  }
.Ltmp17:
0x14f: {  	s4 =	sshrl.u32 s4, $0x3;
	(pc) =	sbr.rel .LBB2_3-.Ltmp17, $4  }
0x150: {  	s5 =	sadd.s32 s6, s4  }
0x151: {  	[tilespmem:s22], [sflag:$0x2] =	stream.linear.gather [hbm4b:s5+s3], $0x800, $0x38;
	[tilespmem:$0x1F200] =	vst v63  }
0x152: {  	s2 =	sadd.s32 $0x1, s2;
	s4 =	sadd.s32 s7, s4  }
0x153: {  	[tilespmem:s23], [sflag:$0x2] =	stream.linear.gather [hbm4b:s4+s3], $0x800, $0x38;
	[tilespmem:$0x1F200] =	vst v63  }
.LBB2_23:
0x154: {  	_ =	sfence.sel $0x180000  }
0x155: {  	[bflag:$0x0] =	sbarrier.arrive $0xFFFF  }
0x156: {  	_ =	strace $0x90000047  }
0x157: {  	s0 =	stileid.u32;
	[bflag:$0x2] =	sbarrier.arrive $0xFFFF  }
0x158: {  	p0 =	sne.s32 s0, $0x0;
	s0 =	rddreg [dreg:$0x3]  }
0x159: {  	s0 =	sadd.s32 @!p0 $0x100000, s0  }
0x15a: {  	[sflag:s0] =	ssyncadd.tile.s32 @!p0 $0x1;
	_ =	shalt  }
.Lfunc_end2:
_tile_overlayer_lowered:
.L_overlay_start_2:
0x15b: {  	(tag) =	ssettag $0x2  }
0x15c: {  	s0 =	rddreg [dreg:$0x0];
	s2 =	stileid.u32  }
0x15d: {  	s1 =	rddreg [dreg:$0x1];
	p0 =	sne.s32 s2, $0x0  }
0x15e: {  	s3 =	rddreg [dreg:$0x2];
	[bflag:$0x3] =	sbarrier.arrive $0xFFFF;
	s2 =	simm.s32 @!p0 $0x1C04  }
0x15f: {  	[timem:s3], [sflag:s2] =	dma.local @!p0 [hbm:s0], s1  }
0x160: {  	s0 =	simm.s32 @!p0 $0x4  }
0x161: {  	_ =	swait.ge @!p0 [sflag:s0], s1  }
0x162: {  	s1 =	ssub.s32 @!p0 $0x0, s1;
	[sflag:s0] =	ssyncset.done @!p0 $0x0  }
0x163: {  	[sflag:s0] =	ssyncadd.s32 @!p0 s1  }
0x164: {  	[bflag:$0x3] =	sbarrier.arrive $0xFFFF  }
0x165: {  	_ =	shalt  }

</sc_bundles>
